<compile_context>
chip_gen: v7x
topology: tpu7x:2x2x1
jax: 0.10.2.dev20260603
libtpu: 0.0.44.dev20260713+nightly
codegen_flags: <defaults>
</compile_context>

<pallas_src>
import functools

import jax
import jax.numpy as jnp
from jax import lax
from jax.experimental import pallas as pl
from jax.experimental.pallas import tpu as pltpu
from jax.experimental.pallas import tpu_sc as plsc

HIST_LEN = 10
ALPHA = 1.0
EPSILON = 0.1
GAMMA = 1.0

ROWS, COLS = 1024, 4096
N_ELEMS = ROWS * COLS

NC, NS, L = 2, 16, 16
NW = NC * NS
SC_ROWS = 320
SC_N = SC_ROWS * COLS
PER_W = SC_N // NW
NCHUNK = 5
CHUNK = PER_W // NCHUNK

TC_ROWS = ROWS - SC_ROWS
TC_GRID = 4
TC_BLOCK_ROWS = TC_ROWS // TC_GRID


def _exact_thresholds(ranges):
    rk = ranges[:9]
    rk1 = ranges[1:]
    lo = lax.bitcast_convert_type(rk, jnp.int32)
    hi = lax.bitcast_convert_type(rk1, jnp.int32)

    def body(_, lohi):
        lo, hi = lohi
        mid = (lo + hi) // 2
        g = lax.bitcast_convert_type(mid, jnp.float32)
        q = jnp.abs(g - rk1) < jnp.abs(g - rk)
        return jnp.where(q, lo, mid), jnp.where(q, mid, hi)

    lo, hi = lax.fori_loop(0, 32, body, (lo, hi))
    return lax.bitcast_convert_type(hi, jnp.float32)


def _sc_body(pred_hbm, gt_hbm, tab_hbm, out_hbm,
             tlo_v, thi_v, w_v, out_v,
             p0, p1, g0, g1,
             sem_tab, sem_p0, sem_p1, sem_g0, sem_g1, sem_out):
    wid = lax.axis_index("s") * NC + lax.axis_index("c")
    base = wid * PER_W

    pltpu.async_copy(tab_hbm.at[pl.ds(0, L)], tlo_v, sem_tab).wait()
    pltpu.async_copy(tab_hbm.at[pl.ds(L, L)], thi_v, sem_tab).wait()
    pltpu.async_copy(tab_hbm.at[pl.ds(2 * L, L)], w_v, sem_tab).wait()

    tlo_vec = tlo_v[...]
    thi_vec = thi_v[...]
    w_vec = w_v[...]

    pbufs, gbufs = (p0, p1), (g0, g1)
    psems, gsems = (sem_p0, sem_p1), (sem_g0, sem_g1)

    def start(c):
        off = base + c * CHUNK
        hp = pltpu.async_copy(pred_hbm.at[pl.ds(off, CHUNK)], pbufs[c % 2], psems[c % 2])
        hg = pltpu.async_copy(gt_hbm.at[pl.ds(off, CHUNK)], gbufs[c % 2], gsems[c % 2])
        return hp, hg

    handles = {0: start(0)}

    acc_w = jnp.zeros((L,), jnp.float32)
    acc_wd2 = jnp.zeros((L,), jnp.float32)

    for c in range(NCHUNK):
        if c + 1 < NCHUNK:
            handles[c + 1] = start(c + 1)
        hp, hg = handles.pop(c)
        hp.wait()
        hg.wait()
        pbuf, gbuf = pbufs[c % 2], gbufs[c % 2]

        def body(j, carry):
            aw, awd2 = carry
            g = gbuf[pl.ds(j, L)]
            p = pbuf[pl.ds(j, L)]
            a = g * 9.0 + 0.5
            i0 = a.astype(jnp.int32)
            tlo = tlo_vec.at[i0].get(mode="promise_in_bounds")
            thi = thi_vec.at[i0].get(mode="promise_in_bounds")
            one = jnp.ones((L,), jnp.int32)
            zero = jnp.zeros((L,), jnp.int32)
            i = i0 - jnp.where(g < tlo, one, zero) + jnp.where(g >= thi, one, zero)
            w = w_vec.at[i].get(mode="promise_in_bounds")
            d = g - p
            return aw + w, awd2 + w * (d * d)

        cw, cwd2 = plsc.parallel_loop(
            0, CHUNK, step=L, unroll=8,
            carry=(jnp.zeros((L,), jnp.float32), jnp.zeros((L,), jnp.float32)),
        )(body)
        acc_w = acc_w + cw
        acc_wd2 = acc_wd2 + cwd2

    out_v[0, :] = acc_w
    out_v[1, :] = acc_wd2
    pltpu.async_copy(out_v, out_hbm.at[wid], sem_out).wait()


def _tc_body(scal_ref, pred_ref, gt_ref, ow_ref, owd2_ref):
    @pl.when(pl.program_id(0) == 0)
    def _():
        ow_ref[0, 0] = 0.0
        owd2_ref[0, 0] = 0.0

    g = gt_ref[...]
    p = pred_ref[...]
    d = g - p
    d2 = d * d
    w = jnp.full_like(g, scal_ref[1, 15])
    for k in range(9):
        w = w + jnp.where(g >= scal_ref[0, k], scal_ref[1, k], 0.0)
    ow_ref[0, 0] += jnp.sum(w)
    owd2_ref[0, 0] += jnp.sum(w * d2)


def kernel(y_pred, y_gt, freqs, ranges):
    ranges = ranges.astype(jnp.float32)
    t = _exact_thresholds(ranges)
    fsum = jnp.sum(freqs).astype(jnp.float32)
    dens = freqs.astype(jnp.float32) / fsum
    wtab = jnp.maximum(1.0 - ALPHA * dens, EPSILON)
    deltas = wtab[1:] - wtab[:9]

    tab = jnp.zeros((3, 16), jnp.float32)
    tab = tab.at[0, 0].set(-1.0).at[0, 1:10].set(t)
    tab = tab.at[1, :9].set(t).at[1, 9:].set(2.0)
    tab = tab.at[2, :10].set(wtab)
    tab = tab.reshape(-1)

    scal = jnp.zeros((2, 16), jnp.float32)
    scal = scal.at[0, :9].set(t).at[0, 9:].set(9e9)
    scal = scal.at[1, :9].set(deltas).at[1, 15].set(wtab[0])

    pred_flat = y_pred.reshape(-1)[:SC_N]
    gt_flat = y_gt.reshape(-1)[:SC_N]

    mesh = plsc.VectorSubcoreMesh(core_axis_name="c", subcore_axis_name="s")
    sc_run = functools.partial(
        pl.kernel,
        out_type=jax.ShapeDtypeStruct((NW, 2, L), jnp.float32),
        mesh=mesh,
        scratch_types=[
            pltpu.VMEM((L,), jnp.float32),
            pltpu.VMEM((L,), jnp.float32),
            pltpu.VMEM((L,), jnp.float32),
            pltpu.VMEM((2, L), jnp.float32),
            pltpu.VMEM((CHUNK,), jnp.float32),
            pltpu.VMEM((CHUNK,), jnp.float32),
            pltpu.VMEM((CHUNK,), jnp.float32),
            pltpu.VMEM((CHUNK,), jnp.float32),
            pltpu.SemaphoreType.DMA,
            pltpu.SemaphoreType.DMA,
            pltpu.SemaphoreType.DMA,
            pltpu.SemaphoreType.DMA,
            pltpu.SemaphoreType.DMA,
            pltpu.SemaphoreType.DMA,
        ],
    )(_sc_body)

    sc_parts = sc_run(pred_flat, gt_flat, tab)

    tc_ow, tc_owd2 = pl.pallas_call(
        _tc_body,
        grid=(TC_GRID,),
        in_specs=[
            pl.BlockSpec(memory_space=pltpu.SMEM),
            pl.BlockSpec((TC_BLOCK_ROWS, COLS), lambda i: (i, 0)),
            pl.BlockSpec((TC_BLOCK_ROWS, COLS), lambda i: (i, 0)),
        ],
        out_specs=[
            pl.BlockSpec(memory_space=pltpu.SMEM),
            pl.BlockSpec(memory_space=pltpu.SMEM),
        ],
        out_shape=[
            jax.ShapeDtypeStruct((1, 1), jnp.float32),
            jax.ShapeDtypeStruct((1, 1), jnp.float32),
        ],
    )(scal, y_pred[SC_ROWS:], y_gt[SC_ROWS:])

    a = jnp.sum(sc_parts[:, 0, :]) + tc_ow[0, 0]
    b = jnp.sum(sc_parts[:, 1, :]) + tc_owd2[0, 0]
    return GAMMA * jnp.float32(N_ELEMS) * b / a

# --- scband reference (transcript-rebuilt; emitter-appended) ---
"""Pipeline reference for scband-weighted-mse-61186104099708 (READ-ONLY COPY).

The authoritative reference and input builder live on the scoring server;
editing this copy changes nothing except your own understanding.
"""

import jax, jax.numpy as jnp
import numpy as np

HIST_LEN = 10
ALPHA = 1.0
EPSILON = 0.1
GAMMA = 1.0


def _hist_frequency_estimation(y, hist_len=HIST_LEN):
    # y: 1-D targets in [0, 1]
    hist_range = jnp.linspace(0.0, 1.0, hist_len)
    hist_idxs = jnp.argmin(jnp.abs(y[..., None] - hist_range), axis=-1)
    hist_count = jnp.bincount(hist_idxs.reshape(-1), length=hist_len)
    return hist_count, hist_range


def setup_inputs(seed: int = 0) -> dict:
    key = jax.random.key(seed)
    k1, k2, k3 = jax.random.split(key, 3)
    y_pred = jax.random.uniform(k1, (1024, 4096), dtype=jnp.float32)
    y_gt = jax.random.uniform(k2, (1024, 4096), dtype=jnp.float32)
    # Module state: histogram frequency estimation built at __init__ from `targets`.
    targets = jax.random.uniform(k3, (100000,), dtype=jnp.float32)
    freqs, ranges = _hist_frequency_estimation(targets, HIST_LEN)
    return {"y_pred": y_pred, "y_gt": y_gt, "freqs": freqs, "ranges": ranges}


def reference(y_pred, y_gt, freqs, ranges):
    exp_y_pred, exp_y_gt = jnp.broadcast_arrays(y_pred, y_gt)
    # get_dens_target: bin each gt value to nearest range center, gather its frequency
    closest_idx = jnp.argmin(jnp.abs(exp_y_gt[..., None] - ranges), axis=-1)
    target_dens = jnp.take(freqs, closest_idx, axis=0).astype(jnp.float32) / jnp.sum(freqs).astype(jnp.float32)
    # get_weight_target: inverse-density weighting floored at epsilon, normalized to mean 1
    weights = jnp.maximum(1.0 - ALPHA * target_dens, jnp.full_like(target_dens, EPSILON))
    weights = weights / jnp.mean(weights)
    # weighted MSE (sum-reduced)
    return jnp.sum(GAMMA * weights * (exp_y_gt - exp_y_pred) ** 2)

if __name__ == "__main__":
    import jax
    _d = setup_inputs()
    print(jax.jit(kernel)(*tuple(_d.values())))

</pallas_src>

<mosaic_0001>
#map = affine_map<(d0, d1) -> (0)>
#map1 = affine_map<(d0, d1) -> (0, 0, 0)>
module attributes {stable_mosaic.version = 14 : i64} {
  func.func @_sc_body(%arg0: i32, %arg1: i32, %arg2: memref<1310720xf32, #tpu.memory_space<hbm>>, %arg3: memref<1310720xf32, #tpu.memory_space<hbm>>, %arg4: memref<48xf32, #tpu.memory_space<hbm>>, %arg5: memref<32x2x16xf32, #tpu.memory_space<hbm>>, %arg6: memref<16xf32, #tpu.memory_space<vmem>>, %arg7: memref<16xf32, #tpu.memory_space<vmem>>, %arg8: memref<16xf32, #tpu.memory_space<vmem>>, %arg9: memref<2x16xf32, #tpu.memory_space<vmem>>, %arg10: memref<8192xf32, #tpu.memory_space<vmem>>, %arg11: memref<8192xf32, #tpu.memory_space<vmem>>, %arg12: memref<8192xf32, #tpu.memory_space<vmem>>, %arg13: memref<8192xf32, #tpu.memory_space<vmem>>, %arg14: memref<!tpu.dma_semaphore, #tpu.memory_space<semaphore_mem>>, %arg15: memref<!tpu.dma_semaphore, #tpu.memory_space<semaphore_mem>>, %arg16: memref<!tpu.dma_semaphore, #tpu.memory_space<semaphore_mem>>, %arg17: memref<!tpu.dma_semaphore, #tpu.memory_space<semaphore_mem>>, %arg18: memref<!tpu.dma_semaphore, #tpu.memory_space<semaphore_mem>>, %arg19: memref<!tpu.dma_semaphore, #tpu.memory_space<semaphore_mem>>) attributes {dimension_semantics = [#tpu.dimension_semantics<core_parallel>, #tpu.dimension_semantics<subcore_parallel>], iteration_bounds = array<i64: 2, 16>, scalar_prefetch = 0 : i64, scratch_operands = 14 : i64, tpu.core_type = #tpu.core_type<sc_vector_subcore>, window_params = [{transform_indices = #map}, {transform_indices = #map}, {transform_indices = #map}, {transform_indices = #map1}]} {
    %mul3A = arith.constant 2 : i32
    %mul3A_0 = arith.muli %arg1, %mul3A : i32
    %add3A = arith.addi %mul3A_0, %arg0 : i32
    %mul3A_1 = arith.constant 40960 : i32
    %mul3A_2 = arith.muli %add3A, %mul3A_1 : i32
    %dma_start3A = arith.constant 0 : i32
    %dma_start3A_3 = tpu.memref_slice %arg4[%dma_start3A] : memref<48xf32, #tpu.memory_space<hbm>> -> memref<16xf32, #tpu.memory_space<hbm>>
    %dma_start3A_4 = arith.constant 0 : i32
    %dma_start3A_5 = tpu.memref_slice %arg4[%dma_start3A_4] : memref<48xf32, #tpu.memory_space<hbm>> -> memref<16xf32, #tpu.memory_space<hbm>>
    tpu.enqueue_dma source(%dma_start3A_5 : memref<16xf32, #tpu.memory_space<hbm>>) target(%arg6 : memref<16xf32, #tpu.memory_space<vmem>>) target_semaphore(%arg14 : memref<!tpu.dma_semaphore, #tpu.memory_space<semaphore_mem>>)
    %dma_wait3A = arith.constant 0 : i32
    %dma_wait3A_6 = tpu.memref_slice %arg4[%dma_wait3A] : memref<48xf32, #tpu.memory_space<hbm>> -> memref<16xf32, #tpu.memory_space<hbm>>
    %dma_wait3A_7 = arith.constant 0 : i32
    %dma_wait3A_8 = tpu.memref_slice %arg4[%dma_wait3A_7] : memref<48xf32, #tpu.memory_space<hbm>> -> memref<16xf32, #tpu.memory_space<hbm>>
    tpu.wait_dma2 semaphore(%arg14 : memref<!tpu.dma_semaphore, #tpu.memory_space<semaphore_mem>>) src(%dma_wait3A_8 : memref<16xf32, #tpu.memory_space<hbm>>) dst(%arg6 : memref<16xf32, #tpu.memory_space<vmem>>)
    %dma_start3A_9 = arith.constant 16 : i32
    %dma_start3A_10 = tpu.memref_slice %arg4[%dma_start3A_9] : memref<48xf32, #tpu.memory_space<hbm>> -> memref<16xf32, #tpu.memory_space<hbm>>
    %dma_start3A_11 = arith.constant 16 : i32
    %dma_start3A_12 = tpu.memref_slice %arg4[%dma_start3A_11] : memref<48xf32, #tpu.memory_space<hbm>> -> memref<16xf32, #tpu.memory_space<hbm>>
    tpu.enqueue_dma source(%dma_start3A_12 : memref<16xf32, #tpu.memory_space<hbm>>) target(%arg7 : memref<16xf32, #tpu.memory_space<vmem>>) target_semaphore(%arg14 : memref<!tpu.dma_semaphore, #tpu.memory_space<semaphore_mem>>)
    %dma_wait3A_13 = arith.constant 16 : i32
    %dma_wait3A_14 = tpu.memref_slice %arg4[%dma_wait3A_13] : memref<48xf32, #tpu.memory_space<hbm>> -> memref<16xf32, #tpu.memory_space<hbm>>
    %dma_wait3A_15 = arith.constant 16 : i32
    %dma_wait3A_16 = tpu.memref_slice %arg4[%dma_wait3A_15] : memref<48xf32, #tpu.memory_space<hbm>> -> memref<16xf32, #tpu.memory_space<hbm>>
    tpu.wait_dma2 semaphore(%arg14 : memref<!tpu.dma_semaphore, #tpu.memory_space<semaphore_mem>>) src(%dma_wait3A_16 : memref<16xf32, #tpu.memory_space<hbm>>) dst(%arg7 : memref<16xf32, #tpu.memory_space<vmem>>)
    %dma_start3A_17 = arith.constant 32 : i32
    %dma_start3A_18 = tpu.memref_slice %arg4[%dma_start3A_17] : memref<48xf32, #tpu.memory_space<hbm>> -> memref<16xf32, #tpu.memory_space<hbm>>
    %dma_start3A_19 = arith.constant 32 : i32
    %dma_start3A_20 = tpu.memref_slice %arg4[%dma_start3A_19] : memref<48xf32, #tpu.memory_space<hbm>> -> memref<16xf32, #tpu.memory_space<hbm>>
    tpu.enqueue_dma source(%dma_start3A_20 : memref<16xf32, #tpu.memory_space<hbm>>) target(%arg8 : memref<16xf32, #tpu.memory_space<vmem>>) target_semaphore(%arg14 : memref<!tpu.dma_semaphore, #tpu.memory_space<semaphore_mem>>)
    %dma_wait3A_21 = arith.constant 32 : i32
    %dma_wait3A_22 = tpu.memref_slice %arg4[%dma_wait3A_21] : memref<48xf32, #tpu.memory_space<hbm>> -> memref<16xf32, #tpu.memory_space<hbm>>
    %dma_wait3A_23 = arith.constant 32 : i32
    %dma_wait3A_24 = tpu.memref_slice %arg4[%dma_wait3A_23] : memref<48xf32, #tpu.memory_space<hbm>> -> memref<16xf32, #tpu.memory_space<hbm>>
    tpu.wait_dma2 semaphore(%arg14 : memref<!tpu.dma_semaphore, #tpu.memory_space<semaphore_mem>>) src(%dma_wait3A_24 : memref<16xf32, #tpu.memory_space<hbm>>) dst(%arg8 : memref<16xf32, #tpu.memory_space<vmem>>)
    %get3A = arith.constant 0 : index
    %get3A_25 = tpu.vector_load %arg6[%get3A] {strides = array<i32>} : memref<16xf32, #tpu.memory_space<vmem>>, vector<16xf32>,
    %get3A_26 = vector.shape_cast %get3A_25 : vector<16xf32> to vector<16xf32>
    %get3A_27 = arith.constant 0 : index
    %get3A_28 = tpu.vector_load %arg7[%get3A_27] {strides = array<i32>} : memref<16xf32, #tpu.memory_space<vmem>>, vector<16xf32>,
    %get3A_29 = vector.shape_cast %get3A_28 : vector<16xf32> to vector<16xf32>
    %get3A_30 = arith.constant 0 : index
    %get3A_31 = tpu.vector_load %arg8[%get3A_30] {strides = array<i32>} : memref<16xf32, #tpu.memory_space<vmem>>, vector<16xf32>,
    %get3A_32 = vector.shape_cast %get3A_31 : vector<16xf32> to vector<16xf32>
    %add3A_33 = arith.constant 0 : i32
    %add3A_34 = arith.addi %mul3A_2, %add3A_33 : i32
    %dma_start3A_35 = tpu.memref_slice %arg2[%add3A_34] : memref<1310720xf32, #tpu.memory_space<hbm>> -> memref<8192xf32, #tpu.memory_space<hbm>>
    %dma_start3A_36 = tpu.memref_slice %arg2[%add3A_34] : memref<1310720xf32, #tpu.memory_space<hbm>> -> memref<8192xf32, #tpu.memory_space<hbm>>
    tpu.enqueue_dma source(%dma_start3A_36 : memref<8192xf32, #tpu.memory_space<hbm>>) target(%arg10 : memref<8192xf32, #tpu.memory_space<vmem>>) target_semaphore(%arg15 : memref<!tpu.dma_semaphore, #tpu.memory_space<semaphore_mem>>)
    %dma_start3A_37 = tpu.memref_slice %arg3[%add3A_34] : memref<1310720xf32, #tpu.memory_space<hbm>> -> memref<8192xf32, #tpu.memory_space<hbm>>
    %dma_start3A_38 = tpu.memref_slice %arg3[%add3A_34] : memref<1310720xf32, #tpu.memory_space<hbm>> -> memref<8192xf32, #tpu.memory_space<hbm>>
    tpu.enqueue_dma source(%dma_start3A_38 : memref<8192xf32, #tpu.memory_space<hbm>>) target(%arg12 : memref<8192xf32, #tpu.memory_space<vmem>>) target_semaphore(%arg17 : memref<!tpu.dma_semaphore, #tpu.memory_space<semaphore_mem>>)
    %broadcast_in_dim3A = arith.constant 0.000000e+00 : f32
    %broadcast_in_dim3A_39 = vector.broadcast %broadcast_in_dim3A : f32 to vector<16xf32>
    %broadcast_in_dim3A_40 = arith.constant 0.000000e+00 : f32
    %broadcast_in_dim3A_41 = vector.broadcast %broadcast_in_dim3A_40 : f32 to vector<16xf32>
    %add3A_42 = arith.constant 8192 : i32
    %add3A_43 = arith.addi %mul3A_2, %add3A_42 : i32
    %dma_start3A_44 = tpu.memref_slice %arg2[%add3A_43] : memref<1310720xf32, #tpu.memory_space<hbm>> -> memref<8192xf32, #tpu.memory_space<hbm>>
    %dma_start3A_45 = tpu.memref_slice %arg2[%add3A_43] : memref<1310720xf32, #tpu.memory_space<hbm>> -> memref<8192xf32, #tpu.memory_space<hbm>>
    tpu.enqueue_dma source(%dma_start3A_45 : memref<8192xf32, #tpu.memory_space<hbm>>) target(%arg11 : memref<8192xf32, #tpu.memory_space<vmem>>) target_semaphore(%arg16 : memref<!tpu.dma_semaphore, #tpu.memory_space<semaphore_mem>>)
    %dma_start3A_46 = tpu.memref_slice %arg3[%add3A_43] : memref<1310720xf32, #tpu.memory_space<hbm>> -> memref<8192xf32, #tpu.memory_space<hbm>>
    %dma_start3A_47 = tpu.memref_slice %arg3[%add3A_43] : memref<1310720xf32, #tpu.memory_space<hbm>> -> memref<8192xf32, #tpu.memory_space<hbm>>
    tpu.enqueue_dma source(%dma_start3A_47 : memref<8192xf32, #tpu.memory_space<hbm>>) target(%arg13 : memref<8192xf32, #tpu.memory_space<vmem>>) target_semaphore(%arg18 : memref<!tpu.dma_semaphore, #tpu.memory_space<semaphore_mem>>)
    %dma_wait3A_48 = tpu.memref_slice %arg2[%add3A_34] : memref<1310720xf32, #tpu.memory_space<hbm>> -> memref<8192xf32, #tpu.memory_space<hbm>>
    %dma_wait3A_49 = tpu.memref_slice %arg2[%add3A_34] : memref<1310720xf32, #tpu.memory_space<hbm>> -> memref<8192xf32, #tpu.memory_space<hbm>>
    tpu.wait_dma2 semaphore(%arg15 : memref<!tpu.dma_semaphore, #tpu.memory_space<semaphore_mem>>) src(%dma_wait3A_49 : memref<8192xf32, #tpu.memory_space<hbm>>) dst(%arg10 : memref<8192xf32, #tpu.memory_space<vmem>>)
    %dma_wait3A_50 = tpu.memref_slice %arg3[%add3A_34] : memref<1310720xf32, #tpu.memory_space<hbm>> -> memref<8192xf32, #tpu.memory_space<hbm>>
    %dma_wait3A_51 = tpu.memref_slice %arg3[%add3A_34] : memref<1310720xf32, #tpu.memory_space<hbm>> -> memref<8192xf32, #tpu.memory_space<hbm>>
    tpu.wait_dma2 semaphore(%arg17 : memref<!tpu.dma_semaphore, #tpu.memory_space<semaphore_mem>>) src(%dma_wait3A_51 : memref<8192xf32, #tpu.memory_space<hbm>>) dst(%arg12 : memref<8192xf32, #tpu.memory_space<vmem>>)
    %broadcast_in_dim3A_52 = arith.constant 0.000000e+00 : f32
    %broadcast_in_dim3A_53 = vector.broadcast %broadcast_in_dim3A_52 : f32 to vector<16xf32>
    %broadcast_in_dim3A_54 = arith.constant 0.000000e+00 : f32
    %broadcast_in_dim3A_55 = vector.broadcast %broadcast_in_dim3A_54 : f32 to vector<16xf32>
    %parallel_loop3A = arith.constant 0 : i32
    %parallel_loop3A_56 = arith.constant 8192 : i32
    %parallel_loop3A_57 = arith.constant 16 : i32
    %parallel_loop3A_58:2 = scf.for %parallel_loop3A_162 = %parallel_loop3A to %parallel_loop3A_56 step %parallel_loop3A_57 iter_args(%parallel_loop3A_163 = %broadcast_in_dim3A_53, %parallel_loop3A_164 = %broadcast_in_dim3A_55) -> (vector<16xf32>, vector<16xf32>)  : i32 {
      %parallel_loop3A_165 = arith.index_cast %parallel_loop3A_162 : i32 to index
      %parallel_loop3A_166 = tpu.vector_load %arg12[%parallel_loop3A_165] {strides = array<i32>} : memref<8192xf32, #tpu.memory_space<vmem>>, vector<16xf32>,
      %parallel_loop3A_167 = vector.shape_cast %parallel_loop3A_166 : vector<16xf32> to vector<16xf32>
      %parallel_loop3A_168 = arith.index_cast %parallel_loop3A_162 : i32 to index
      %parallel_loop3A_169 = tpu.vector_load %arg10[%parallel_loop3A_168] {strides = array<i32>} : memref<8192xf32, #tpu.memory_space<vmem>>, vector<16xf32>,
      %parallel_loop3A_170 = vector.shape_cast %parallel_loop3A_169 : vector<16xf32> to vector<16xf32>
      %parallel_loop3A_171 = arith.constant 9.000000e+00 : f32
      %parallel_loop3A_172 = vector.broadcast %parallel_loop3A_171 : f32 to vector<16xf32>
      %parallel_loop3A_173 = arith.mulf %parallel_loop3A_167, %parallel_loop3A_172 : vector<16xf32>
      %parallel_loop3A_174 = arith.constant 5.000000e-01 : f32
      %parallel_loop3A_175 = vector.broadcast %parallel_loop3A_174 : f32 to vector<16xf32>
      %parallel_loop3A_176 = arith.addf %parallel_loop3A_173, %parallel_loop3A_175 : vector<16xf32>
      %parallel_loop3A_177 = arith.fptosi %parallel_loop3A_176 : vector<16xf32> to vector<16xi32>
      %parallel_loop3A_178 = arith.constant 0 : i32
      %parallel_loop3A_179 = vector.broadcast %parallel_loop3A_178 : i32 to vector<16xi32>
      %parallel_loop3A_180 = arith.cmpi slt, %parallel_loop3A_177, %parallel_loop3A_179 : vector<16xi32>
      %parallel_loop3A_181 = arith.constant 16 : i32
      %parallel_loop3A_182 = vector.broadcast %parallel_loop3A_181 : i32 to vector<16xi32>
      %parallel_loop3A_183 = arith.addi %parallel_loop3A_177, %parallel_loop3A_182 : vector<16xi32>
      %parallel_loop3A_184 = arith.select %parallel_loop3A_180, %parallel_loop3A_183, %parallel_loop3A_177 : vector<16xi1>, vector<16xi32>
      %parallel_loop3A_185 = vector.shape_cast %parallel_loop3A_184 : vector<16xi32> to vector<16x1xi32>
      %parallel_loop3A_186 = vector.shape_cast %parallel_loop3A_185 : vector<16x1xi32> to vector<16xi32>
      %parallel_loop3A_187 = tpu.dynamic_gather %get3A_26[%parallel_loop3A_186] in [0] : vector<16xf32>, vector<16xi32> -> vector<16xf32>
      %parallel_loop3A_188 = arith.constant 0 : i32
      %parallel_loop3A_189 = vector.broadcast %parallel_loop3A_188 : i32 to vector<16xi32>
      %parallel_loop3A_190 = arith.cmpi slt, %parallel_loop3A_177, %parallel_loop3A_189 : vector<16xi32>
      %parallel_loop3A_191 = arith.constant 16 : i32
      %parallel_loop3A_192 = vector.broadcast %parallel_loop3A_191 : i32 to vector<16xi32>
      %parallel_loop3A_193 = arith.addi %parallel_loop3A_177, %parallel_loop3A_192 : vector<16xi32>
      %parallel_loop3A_194 = arith.select %parallel_loop3A_190, %parallel_loop3A_193, %parallel_loop3A_177 : vector<16xi1>, vector<16xi32>
      %parallel_loop3A_195 = vector.shape_cast %parallel_loop3A_194 : vector<16xi32> to vector<16x1xi32>
      %parallel_loop3A_196 = vector.shape_cast %parallel_loop3A_195 : vector<16x1xi32> to vector<16xi32>
      %parallel_loop3A_197 = tpu.dynamic_gather %get3A_29[%parallel_loop3A_196] in [0] : vector<16xf32>, vector<16xi32> -> vector<16xf32>
      %parallel_loop3A_198 = arith.constant 1 : i32
      %parallel_loop3A_199 = vector.broadcast %parallel_loop3A_198 : i32 to vector<16xi32>
      %parallel_loop3A_200 = arith.constant 0 : i32
      %parallel_loop3A_201 = vector.broadcast %parallel_loop3A_200 : i32 to vector<16xi32>
      %parallel_loop3A_202 = arith.cmpf olt, %parallel_loop3A_167, %parallel_loop3A_187 : vector<16xf32>
      %parallel_loop3A_203 = arith.select %parallel_loop3A_202, %parallel_loop3A_199, %parallel_loop3A_201 : vector<16xi1>, vector<16xi32>
      %parallel_loop3A_204 = arith.subi %parallel_loop3A_177, %parallel_loop3A_203 : vector<16xi32>
      %parallel_loop3A_205 = arith.cmpf oge, %parallel_loop3A_167, %parallel_loop3A_197 : vector<16xf32>
      %parallel_loop3A_206 = arith.select %parallel_loop3A_205, %parallel_loop3A_199, %parallel_loop3A_201 : vector<16xi1>, vector<16xi32>
      %parallel_loop3A_207 = arith.addi %parallel_loop3A_204, %parallel_loop3A_206 : vector<16xi32>
      %parallel_loop3A_208 = arith.constant 0 : i32
      %parallel_loop3A_209 = vector.broadcast %parallel_loop3A_208 : i32 to vector<16xi32>
      %parallel_loop3A_210 = arith.cmpi slt, %parallel_loop3A_207, %parallel_loop3A_209 : vector<16xi32>
      %parallel_loop3A_211 = arith.constant 16 : i32
      %parallel_loop3A_212 = vector.broadcast %parallel_loop3A_211 : i32 to vector<16xi32>
      %parallel_loop3A_213 = arith.addi %parallel_loop3A_207, %parallel_loop3A_212 : vector<16xi32>
      %parallel_loop3A_214 = arith.select %parallel_loop3A_210, %parallel_loop3A_213, %parallel_loop3A_207 : vector<16xi1>, vector<16xi32>
      %parallel_loop3A_215 = vector.shape_cast %parallel_loop3A_214 : vector<16xi32> to vector<16x1xi32>
      %parallel_loop3A_216 = vector.shape_cast %parallel_loop3A_215 : vector<16x1xi32> to vector<16xi32>
      %parallel_loop3A_217 = tpu.dynamic_gather %get3A_32[%parallel_loop3A_216] in [0] : vector<16xf32>, vector<16xi32> -> vector<16xf32>
      %parallel_loop3A_218 = arith.subf %parallel_loop3A_167, %parallel_loop3A_170 : vector<16xf32>
      %parallel_loop3A_219 = arith.addf %parallel_loop3A_163, %parallel_loop3A_217 : vector<16xf32>
      %parallel_loop3A_220 = arith.mulf %parallel_loop3A_218, %parallel_loop3A_218 : vector<16xf32>
      %parallel_loop3A_221 = arith.mulf %parallel_loop3A_217, %parallel_loop3A_220 : vector<16xf32>
      %parallel_loop3A_222 = arith.addf %parallel_loop3A_164, %parallel_loop3A_221 : vector<16xf32>
      scf.yield %parallel_loop3A_219, %parallel_loop3A_222 : vector<16xf32>, vector<16xf32>
    } {sc.loop_unroll_factor = 8 : i64, sc.parallel_access}
    %add3A_59 = arith.addf %broadcast_in_dim3A_39, %parallel_loop3A_58#0 : vector<16xf32>
    %add3A_60 = arith.addf %broadcast_in_dim3A_41, %parallel_loop3A_58#1 : vector<16xf32>
    %add3A_61 = arith.constant 16384 : i32
    %add3A_62 = arith.addi %mul3A_2, %add3A_61 : i32
    %dma_start3A_63 = tpu.memref_slice %arg2[%add3A_62] : memref<1310720xf32, #tpu.memory_space<hbm>> -> memref<8192xf32, #tpu.memory_space<hbm>>
    %dma_start3A_64 = tpu.memref_slice %arg2[%add3A_62] : memref<1310720xf32, #tpu.memory_space<hbm>> -> memref<8192xf32, #tpu.memory_space<hbm>>
    tpu.enqueue_dma source(%dma_start3A_64 : memref<8192xf32, #tpu.memory_space<hbm>>) target(%arg10 : memref<8192xf32, #tpu.memory_space<vmem>>) target_semaphore(%arg15 : memref<!tpu.dma_semaphore, #tpu.memory_space<semaphore_mem>>)
    %dma_start3A_65 = tpu.memref_slice %arg3[%add3A_62] : memref<1310720xf32, #tpu.memory_space<hbm>> -> memref<8192xf32, #tpu.memory_space<hbm>>
    %dma_start3A_66 = tpu.memref_slice %arg3[%add3A_62] : memref<1310720xf32, #tpu.memory_space<hbm>> -> memref<8192xf32, #tpu.memory_space<hbm>>
    tpu.enqueue_dma source(%dma_start3A_66 : memref<8192xf32, #tpu.memory_space<hbm>>) target(%arg12 : memref<8192xf32, #tpu.memory_space<vmem>>) target_semaphore(%arg17 : memref<!tpu.dma_semaphore, #tpu.memory_space<semaphore_mem>>)
    %dma_wait3A_67 = tpu.memref_slice %arg2[%add3A_43] : memref<1310720xf32, #tpu.memory_space<hbm>> -> memref<8192xf32, #tpu.memory_space<hbm>>
    %dma_wait3A_68 = tpu.memref_slice %arg2[%add3A_43] : memref<1310720xf32, #tpu.memory_space<hbm>> -> memref<8192xf32, #tpu.memory_space<hbm>>
    tpu.wait_dma2 semaphore(%arg16 : memref<!tpu.dma_semaphore, #tpu.memory_space<semaphore_mem>>) src(%dma_wait3A_68 : memref<8192xf32, #tpu.memory_space<hbm>>) dst(%arg11 : memref<8192xf32, #tpu.memory_space<vmem>>)
    %dma_wait3A_69 = tpu.memref_slice %arg3[%add3A_43] : memref<1310720xf32, #tpu.memory_space<hbm>> -> memref<8192xf32, #tpu.memory_space<hbm>>
    %dma_wait3A_70 = tpu.memref_slice %arg3[%add3A_43] : memref<1310720xf32, #tpu.memory_space<hbm>> -> memref<8192xf32, #tpu.memory_space<hbm>>
    tpu.wait_dma2 semaphore(%arg18 : memref<!tpu.dma_semaphore, #tpu.memory_space<semaphore_mem>>) src(%dma_wait3A_70 : memref<8192xf32, #tpu.memory_space<hbm>>) dst(%arg13 : memref<8192xf32, #tpu.memory_space<vmem>>)
    %broadcast_in_dim3A_71 = arith.constant 0.000000e+00 : f32
    %broadcast_in_dim3A_72 = vector.broadcast %broadcast_in_dim3A_71 : f32 to vector<16xf32>
    %broadcast_in_dim3A_73 = arith.constant 0.000000e+00 : f32
    %broadcast_in_dim3A_74 = vector.broadcast %broadcast_in_dim3A_73 : f32 to vector<16xf32>
    %parallel_loop3A_75 = arith.constant 0 : i32
    %parallel_loop3A_76 = arith.constant 8192 : i32
    %parallel_loop3A_77 = arith.constant 16 : i32
    %parallel_loop3A_78:2 = scf.for %parallel_loop3A_162 = %parallel_loop3A_75 to %parallel_loop3A_76 step %parallel_loop3A_77 iter_args(%parallel_loop3A_163 = %broadcast_in_dim3A_72, %parallel_loop3A_164 = %broadcast_in_dim3A_74) -> (vector<16xf32>, vector<16xf32>)  : i32 {
      %parallel_loop3A_165 = arith.index_cast %parallel_loop3A_162 : i32 to index
      %parallel_loop3A_166 = tpu.vector_load %arg13[%parallel_loop3A_165] {strides = array<i32>} : memref<8192xf32, #tpu.memory_space<vmem>>, vector<16xf32>,
      %parallel_loop3A_167 = vector.shape_cast %parallel_loop3A_166 : vector<16xf32> to vector<16xf32>
      %parallel_loop3A_168 = arith.index_cast %parallel_loop3A_162 : i32 to index
      %parallel_loop3A_169 = tpu.vector_load %arg11[%parallel_loop3A_168] {strides = array<i32>} : memref<8192xf32, #tpu.memory_space<vmem>>, vector<16xf32>,
      %parallel_loop3A_170 = vector.shape_cast %parallel_loop3A_169 : vector<16xf32> to vector<16xf32>
      %parallel_loop3A_171 = arith.constant 9.000000e+00 : f32
      %parallel_loop3A_172 = vector.broadcast %parallel_loop3A_171 : f32 to vector<16xf32>
      %parallel_loop3A_173 = arith.mulf %parallel_loop3A_167, %parallel_loop3A_172 : vector<16xf32>
      %parallel_loop3A_174 = arith.constant 5.000000e-01 : f32
      %parallel_loop3A_175 = vector.broadcast %parallel_loop3A_174 : f32 to vector<16xf32>
      %parallel_loop3A_176 = arith.addf %parallel_loop3A_173, %parallel_loop3A_175 : vector<16xf32>
      %parallel_loop3A_177 = arith.fptosi %parallel_loop3A_176 : vector<16xf32> to vector<16xi32>
      %parallel_loop3A_178 = arith.constant 0 : i32
      %parallel_loop3A_179 = vector.broadcast %parallel_loop3A_178 : i32 to vector<16xi32>
      %parallel_loop3A_180 = arith.cmpi slt, %parallel_loop3A_177, %parallel_loop3A_179 : vector<16xi32>
      %parallel_loop3A_181 = arith.constant 16 : i32
      %parallel_loop3A_182 = vector.broadcast %parallel_loop3A_181 : i32 to vector<16xi32>
      %parallel_loop3A_183 = arith.addi %parallel_loop3A_177, %parallel_loop3A_182 : vector<16xi32>
      %parallel_loop3A_184 = arith.select %parallel_loop3A_180, %parallel_loop3A_183, %parallel_loop3A_177 : vector<16xi1>, vector<16xi32>
      %parallel_loop3A_185 = vector.shape_cast %parallel_loop3A_184 : vector<16xi32> to vector<16x1xi32>
      %parallel_loop3A_186 = vector.shape_cast %parallel_loop3A_185 : vector<16x1xi32> to vector<16xi32>
      %parallel_loop3A_187 = tpu.dynamic_gather %get3A_26[%parallel_loop3A_186] in [0] : vector<16xf32>, vector<16xi32> -> vector<16xf32>
      %parallel_loop3A_188 = arith.constant 0 : i32
      %parallel_loop3A_189 = vector.broadcast %parallel_loop3A_188 : i32 to vector<16xi32>
      %parallel_loop3A_190 = arith.cmpi slt, %parallel_loop3A_177, %parallel_loop3A_189 : vector<16xi32>
      %parallel_loop3A_191 = arith.constant 16 : i32
      %parallel_loop3A_192 = vector.broadcast %parallel_loop3A_191 : i32 to vector<16xi32>
      %parallel_loop3A_193 = arith.addi %parallel_loop3A_177, %parallel_loop3A_192 : vector<16xi32>
      %parallel_loop3A_194 = arith.select %parallel_loop3A_190, %parallel_loop3A_193, %parallel_loop3A_177 : vector<16xi1>, vector<16xi32>
      %parallel_loop3A_195 = vector.shape_cast %parallel_loop3A_194 : vector<16xi32> to vector<16x1xi32>
      %parallel_loop3A_196 = vector.shape_cast %parallel_loop3A_195 : vector<16x1xi32> to vector<16xi32>
      %parallel_loop3A_197 = tpu.dynamic_gather %get3A_29[%parallel_loop3A_196] in [0] : vector<16xf32>, vector<16xi32> -> vector<16xf32>
      %parallel_loop3A_198 = arith.constant 1 : i32
      %parallel_loop3A_199 = vector.broadcast %parallel_loop3A_198 : i32 to vector<16xi32>
      %parallel_loop3A_200 = arith.constant 0 : i32
      %parallel_loop3A_201 = vector.broadcast %parallel_loop3A_200 : i32 to vector<16xi32>
      %parallel_loop3A_202 = arith.cmpf olt, %parallel_loop3A_167, %parallel_loop3A_187 : vector<16xf32>
      %parallel_loop3A_203 = arith.select %parallel_loop3A_202, %parallel_loop3A_199, %parallel_loop3A_201 : vector<16xi1>, vector<16xi32>
      %parallel_loop3A_204 = arith.subi %parallel_loop3A_177, %parallel_loop3A_203 : vector<16xi32>
      %parallel_loop3A_205 = arith.cmpf oge, %parallel_loop3A_167, %parallel_loop3A_197 : vector<16xf32>
      %parallel_loop3A_206 = arith.select %parallel_loop3A_205, %parallel_loop3A_199, %parallel_loop3A_201 : vector<16xi1>, vector<16xi32>
      %parallel_loop3A_207 = arith.addi %parallel_loop3A_204, %parallel_loop3A_206 : vector<16xi32>
      %parallel_loop3A_208 = arith.constant 0 : i32
      %parallel_loop3A_209 = vector.broadcast %parallel_loop3A_208 : i32 to vector<16xi32>
      %parallel_loop3A_210 = arith.cmpi slt, %parallel_loop3A_207, %parallel_loop3A_209 : vector<16xi32>
      %parallel_loop3A_211 = arith.constant 16 : i32
      %parallel_loop3A_212 = vector.broadcast %parallel_loop3A_211 : i32 to vector<16xi32>
      %parallel_loop3A_213 = arith.addi %parallel_loop3A_207, %parallel_loop3A_212 : vector<16xi32>
      %parallel_loop3A_214 = arith.select %parallel_loop3A_210, %parallel_loop3A_213, %parallel_loop3A_207 : vector<16xi1>, vector<16xi32>
      %parallel_loop3A_215 = vector.shape_cast %parallel_loop3A_214 : vector<16xi32> to vector<16x1xi32>
      %parallel_loop3A_216 = vector.shape_cast %parallel_loop3A_215 : vector<16x1xi32> to vector<16xi32>
      %parallel_loop3A_217 = tpu.dynamic_gather %get3A_32[%parallel_loop3A_216] in [0] : vector<16xf32>, vector<16xi32> -> vector<16xf32>
      %parallel_loop3A_218 = arith.subf %parallel_loop3A_167, %parallel_loop3A_170 : vector<16xf32>
      %parallel_loop3A_219 = arith.addf %parallel_loop3A_163, %parallel_loop3A_217 : vector<16xf32>
      %parallel_loop3A_220 = arith.mulf %parallel_loop3A_218, %parallel_loop3A_218 : vector<16xf32>
      %parallel_loop3A_221 = arith.mulf %parallel_loop3A_217, %parallel_loop3A_220 : vector<16xf32>
      %parallel_loop3A_222 = arith.addf %parallel_loop3A_164, %parallel_loop3A_221 : vector<16xf32>
      scf.yield %parallel_loop3A_219, %parallel_loop3A_222 : vector<16xf32>, vector<16xf32>
    } {sc.loop_unroll_factor = 8 : i64, sc.parallel_access}
    %add3A_79 = arith.addf %add3A_59, %parallel_loop3A_78#0 : vector<16xf32>
    %add3A_80 = arith.addf %add3A_60, %parallel_loop3A_78#1 : vector<16xf32>
    %add3A_81 = arith.constant 24576 : i32
    %add3A_82 = arith.addi %mul3A_2, %add3A_81 : i32
    %dma_start3A_83 = tpu.memref_slice %arg2[%add3A_82] : memref<1310720xf32, #tpu.memory_space<hbm>> -> memref<8192xf32, #tpu.memory_space<hbm>>
    %dma_start3A_84 = tpu.memref_slice %arg2[%add3A_82] : memref<1310720xf32, #tpu.memory_space<hbm>> -> memref<8192xf32, #tpu.memory_space<hbm>>
    tpu.enqueue_dma source(%dma_start3A_84 : memref<8192xf32, #tpu.memory_space<hbm>>) target(%arg11 : memref<8192xf32, #tpu.memory_space<vmem>>) target_semaphore(%arg16 : memref<!tpu.dma_semaphore, #tpu.memory_space<semaphore_mem>>)
    %dma_start3A_85 = tpu.memref_slice %arg3[%add3A_82] : memref<1310720xf32, #tpu.memory_space<hbm>> -> memref<8192xf32, #tpu.memory_space<hbm>>
    %dma_start3A_86 = tpu.memref_slice %arg3[%add3A_82] : memref<1310720xf32, #tpu.memory_space<hbm>> -> memref<8192xf32, #tpu.memory_space<hbm>>
    tpu.enqueue_dma source(%dma_start3A_86 : memref<8192xf32, #tpu.memory_space<hbm>>) target(%arg13 : memref<8192xf32, #tpu.memory_space<vmem>>) target_semaphore(%arg18 : memref<!tpu.dma_semaphore, #tpu.memory_space<semaphore_mem>>)
    %dma_wait3A_87 = tpu.memref_slice %arg2[%add3A_62] : memref<1310720xf32, #tpu.memory_space<hbm>> -> memref<8192xf32, #tpu.memory_space<hbm>>
    %dma_wait3A_88 = tpu.memref_slice %arg2[%add3A_62] : memref<1310720xf32, #tpu.memory_space<hbm>> -> memref<8192xf32, #tpu.memory_space<hbm>>
    tpu.wait_dma2 semaphore(%arg15 : memref<!tpu.dma_semaphore, #tpu.memory_space<semaphore_mem>>) src(%dma_wait3A_88 : memref<8192xf32, #tpu.memory_space<hbm>>) dst(%arg10 : memref<8192xf32, #tpu.memory_space<vmem>>)
    %dma_wait3A_89 = tpu.memref_slice %arg3[%add3A_62] : memref<1310720xf32, #tpu.memory_space<hbm>> -> memref<8192xf32, #tpu.memory_space<hbm>>
    %dma_wait3A_90 = tpu.memref_slice %arg3[%add3A_62] : memref<1310720xf32, #tpu.memory_space<hbm>> -> memref<8192xf32, #tpu.memory_space<hbm>>
    tpu.wait_dma2 semaphore(%arg17 : memref<!tpu.dma_semaphore, #tpu.memory_space<semaphore_mem>>) src(%dma_wait3A_90 : memref<8192xf32, #tpu.memory_space<hbm>>) dst(%arg12 : memref<8192xf32, #tpu.memory_space<vmem>>)
    %broadcast_in_dim3A_91 = arith.constant 0.000000e+00 : f32
    %broadcast_in_dim3A_92 = vector.broadcast %broadcast_in_dim3A_91 : f32 to vector<16xf32>
    %broadcast_in_dim3A_93 = arith.constant 0.000000e+00 : f32
    %broadcast_in_dim3A_94 = vector.broadcast %broadcast_in_dim3A_93 : f32 to vector<16xf32>
    %parallel_loop3A_95 = arith.constant 0 : i32
    %parallel_loop3A_96 = arith.constant 8192 : i32
    %parallel_loop3A_97 = arith.constant 16 : i32
    %parallel_loop3A_98:2 = scf.for %parallel_loop3A_162 = %parallel_loop3A_95 to %parallel_loop3A_96 step %parallel_loop3A_97 iter_args(%parallel_loop3A_163 = %broadcast_in_dim3A_92, %parallel_loop3A_164 = %broadcast_in_dim3A_94) -> (vector<16xf32>, vector<16xf32>)  : i32 {
      %parallel_loop3A_165 = arith.index_cast %parallel_loop3A_162 : i32 to index
      %parallel_loop3A_166 = tpu.vector_load %arg12[%parallel_loop3A_165] {strides = array<i32>} : memref<8192xf32, #tpu.memory_space<vmem>>, vector<16xf32>,
      %parallel_loop3A_167 = vector.shape_cast %parallel_loop3A_166 : vector<16xf32> to vector<16xf32>
      %parallel_loop3A_168 = arith.index_cast %parallel_loop3A_162 : i32 to index
      %parallel_loop3A_169 = tpu.vector_load %arg10[%parallel_loop3A_168] {strides = array<i32>} : memref<8192xf32, #tpu.memory_space<vmem>>, vector<16xf32>,
      %parallel_loop3A_170 = vector.shape_cast %parallel_loop3A_169 : vector<16xf32> to vector<16xf32>
      %parallel_loop3A_171 = arith.constant 9.000000e+00 : f32
      %parallel_loop3A_172 = vector.broadcast %parallel_loop3A_171 : f32 to vector<16xf32>
      %parallel_loop3A_173 = arith.mulf %parallel_loop3A_167, %parallel_loop3A_172 : vector<16xf32>
      %parallel_loop3A_174 = arith.constant 5.000000e-01 : f32
      %parallel_loop3A_175 = vector.broadcast %parallel_loop3A_174 : f32 to vector<16xf32>
      %parallel_loop3A_176 = arith.addf %parallel_loop3A_173, %parallel_loop3A_175 : vector<16xf32>
      %parallel_loop3A_177 = arith.fptosi %parallel_loop3A_176 : vector<16xf32> to vector<16xi32>
      %parallel_loop3A_178 = arith.constant 0 : i32
      %parallel_loop3A_179 = vector.broadcast %parallel_loop3A_178 : i32 to vector<16xi32>
      %parallel_loop3A_180 = arith.cmpi slt, %parallel_loop3A_177, %parallel_loop3A_179 : vector<16xi32>
      %parallel_loop3A_181 = arith.constant 16 : i32
      %parallel_loop3A_182 = vector.broadcast %parallel_loop3A_181 : i32 to vector<16xi32>
      %parallel_loop3A_183 = arith.addi %parallel_loop3A_177, %parallel_loop3A_182 : vector<16xi32>
      %parallel_loop3A_184 = arith.select %parallel_loop3A_180, %parallel_loop3A_183, %parallel_loop3A_177 : vector<16xi1>, vector<16xi32>
      %parallel_loop3A_185 = vector.shape_cast %parallel_loop3A_184 : vector<16xi32> to vector<16x1xi32>
      %parallel_loop3A_186 = vector.shape_cast %parallel_loop3A_185 : vector<16x1xi32> to vector<16xi32>
      %parallel_loop3A_187 = tpu.dynamic_gather %get3A_26[%parallel_loop3A_186] in [0] : vector<16xf32>, vector<16xi32> -> vector<16xf32>
      %parallel_loop3A_188 = arith.constant 0 : i32
      %parallel_loop3A_189 = vector.broadcast %parallel_loop3A_188 : i32 to vector<16xi32>
      %parallel_loop3A_190 = arith.cmpi slt, %parallel_loop3A_177, %parallel_loop3A_189 : vector<16xi32>
      %parallel_loop3A_191 = arith.constant 16 : i32
      %parallel_loop3A_192 = vector.broadcast %parallel_loop3A_191 : i32 to vector<16xi32>
      %parallel_loop3A_193 = arith.addi %parallel_loop3A_177, %parallel_loop3A_192 : vector<16xi32>
      %parallel_loop3A_194 = arith.select %parallel_loop3A_190, %parallel_loop3A_193, %parallel_loop3A_177 : vector<16xi1>, vector<16xi32>
      %parallel_loop3A_195 = vector.shape_cast %parallel_loop3A_194 : vector<16xi32> to vector<16x1xi32>
      %parallel_loop3A_196 = vector.shape_cast %parallel_loop3A_195 : vector<16x1xi32> to vector<16xi32>
      %parallel_loop3A_197 = tpu.dynamic_gather %get3A_29[%parallel_loop3A_196] in [0] : vector<16xf32>, vector<16xi32> -> vector<16xf32>
      %parallel_loop3A_198 = arith.constant 1 : i32
      %parallel_loop3A_199 = vector.broadcast %parallel_loop3A_198 : i32 to vector<16xi32>
      %parallel_loop3A_200 = arith.constant 0 : i32
      %parallel_loop3A_201 = vector.broadcast %parallel_loop3A_200 : i32 to vector<16xi32>
      %parallel_loop3A_202 = arith.cmpf olt, %parallel_loop3A_167, %parallel_loop3A_187 : vector<16xf32>
      %parallel_loop3A_203 = arith.select %parallel_loop3A_202, %parallel_loop3A_199, %parallel_loop3A_201 : vector<16xi1>, vector<16xi32>
      %parallel_loop3A_204 = arith.subi %parallel_loop3A_177, %parallel_loop3A_203 : vector<16xi32>
      %parallel_loop3A_205 = arith.cmpf oge, %parallel_loop3A_167, %parallel_loop3A_197 : vector<16xf32>
      %parallel_loop3A_206 = arith.select %parallel_loop3A_205, %parallel_loop3A_199, %parallel_loop3A_201 : vector<16xi1>, vector<16xi32>
      %parallel_loop3A_207 = arith.addi %parallel_loop3A_204, %parallel_loop3A_206 : vector<16xi32>
      %parallel_loop3A_208 = arith.constant 0 : i32
      %parallel_loop3A_209 = vector.broadcast %parallel_loop3A_208 : i32 to vector<16xi32>
      %parallel_loop3A_210 = arith.cmpi slt, %parallel_loop3A_207, %parallel_loop3A_209 : vector<16xi32>
      %parallel_loop3A_211 = arith.constant 16 : i32
      %parallel_loop3A_212 = vector.broadcast %parallel_loop3A_211 : i32 to vector<16xi32>
      %parallel_loop3A_213 = arith.addi %parallel_loop3A_207, %parallel_loop3A_212 : vector<16xi32>
      %parallel_loop3A_214 = arith.select %parallel_loop3A_210, %parallel_loop3A_213, %parallel_loop3A_207 : vector<16xi1>, vector<16xi32>
      %parallel_loop3A_215 = vector.shape_cast %parallel_loop3A_214 : vector<16xi32> to vector<16x1xi32>
      %parallel_loop3A_216 = vector.shape_cast %parallel_loop3A_215 : vector<16x1xi32> to vector<16xi32>
      %parallel_loop3A_217 = tpu.dynamic_gather %get3A_32[%parallel_loop3A_216] in [0] : vector<16xf32>, vector<16xi32> -> vector<16xf32>
      %parallel_loop3A_218 = arith.subf %parallel_loop3A_167, %parallel_loop3A_170 : vector<16xf32>
      %parallel_loop3A_219 = arith.addf %parallel_loop3A_163, %parallel_loop3A_217 : vector<16xf32>
      %parallel_loop3A_220 = arith.mulf %parallel_loop3A_218, %parallel_loop3A_218 : vector<16xf32>
      %parallel_loop3A_221 = arith.mulf %parallel_loop3A_217, %parallel_loop3A_220 : vector<16xf32>
      %parallel_loop3A_222 = arith.addf %parallel_loop3A_164, %parallel_loop3A_221 : vector<16xf32>
      scf.yield %parallel_loop3A_219, %parallel_loop3A_222 : vector<16xf32>, vector<16xf32>
    } {sc.loop_unroll_factor = 8 : i64, sc.parallel_access}
    %add3A_99 = arith.addf %add3A_79, %parallel_loop3A_98#0 : vector<16xf32>
    %add3A_100 = arith.addf %add3A_80, %parallel_loop3A_98#1 : vector<16xf32>
    %add3A_101 = arith.constant 32768 : i32
    %add3A_102 = arith.addi %mul3A_2, %add3A_101 : i32
    %dma_start3A_103 = tpu.memref_slice %arg2[%add3A_102] : memref<1310720xf32, #tpu.memory_space<hbm>> -> memref<8192xf32, #tpu.memory_space<hbm>>
    %dma_start3A_104 = tpu.memref_slice %arg2[%add3A_102] : memref<1310720xf32, #tpu.memory_space<hbm>> -> memref<8192xf32, #tpu.memory_space<hbm>>
    tpu.enqueue_dma source(%dma_start3A_104 : memref<8192xf32, #tpu.memory_space<hbm>>) target(%arg10 : memref<8192xf32, #tpu.memory_space<vmem>>) target_semaphore(%arg15 : memref<!tpu.dma_semaphore, #tpu.memory_space<semaphore_mem>>)
    %dma_start3A_105 = tpu.memref_slice %arg3[%add3A_102] : memref<1310720xf32, #tpu.memory_space<hbm>> -> memref<8192xf32, #tpu.memory_space<hbm>>
    %dma_start3A_106 = tpu.memref_slice %arg3[%add3A_102] : memref<1310720xf32, #tpu.memory_space<hbm>> -> memref<8192xf32, #tpu.memory_space<hbm>>
    tpu.enqueue_dma source(%dma_start3A_106 : memref<8192xf32, #tpu.memory_space<hbm>>) target(%arg12 : memref<8192xf32, #tpu.memory_space<vmem>>) target_semaphore(%arg17 : memref<!tpu.dma_semaphore, #tpu.memory_space<semaphore_mem>>)
    %dma_wait3A_107 = tpu.memref_slice %arg2[%add3A_82] : memref<1310720xf32, #tpu.memory_space<hbm>> -> memref<8192xf32, #tpu.memory_space<hbm>>
    %dma_wait3A_108 = tpu.memref_slice %arg2[%add3A_82] : memref<1310720xf32, #tpu.memory_space<hbm>> -> memref<8192xf32, #tpu.memory_space<hbm>>
    tpu.wait_dma2 semaphore(%arg16 : memref<!tpu.dma_semaphore, #tpu.memory_space<semaphore_mem>>) src(%dma_wait3A_108 : memref<8192xf32, #tpu.memory_space<hbm>>) dst(%arg11 : memref<8192xf32, #tpu.memory_space<vmem>>)
    %dma_wait3A_109 = tpu.memref_slice %arg3[%add3A_82] : memref<1310720xf32, #tpu.memory_space<hbm>> -> memref<8192xf32, #tpu.memory_space<hbm>>
    %dma_wait3A_110 = tpu.memref_slice %arg3[%add3A_82] : memref<1310720xf32, #tpu.memory_space<hbm>> -> memref<8192xf32, #tpu.memory_space<hbm>>
    tpu.wait_dma2 semaphore(%arg18 : memref<!tpu.dma_semaphore, #tpu.memory_space<semaphore_mem>>) src(%dma_wait3A_110 : memref<8192xf32, #tpu.memory_space<hbm>>) dst(%arg13 : memref<8192xf32, #tpu.memory_space<vmem>>)
    %broadcast_in_dim3A_111 = arith.constant 0.000000e+00 : f32
    %broadcast_in_dim3A_112 = vector.broadcast %broadcast_in_dim3A_111 : f32 to vector<16xf32>
    %broadcast_in_dim3A_113 = arith.constant 0.000000e+00 : f32
    %broadcast_in_dim3A_114 = vector.broadcast %broadcast_in_dim3A_113 : f32 to vector<16xf32>
    %parallel_loop3A_115 = arith.constant 0 : i32
    %parallel_loop3A_116 = arith.constant 8192 : i32
    %parallel_loop3A_117 = arith.constant 16 : i32
    %parallel_loop3A_118:2 = scf.for %parallel_loop3A_162 = %parallel_loop3A_115 to %parallel_loop3A_116 step %parallel_loop3A_117 iter_args(%parallel_loop3A_163 = %broadcast_in_dim3A_112, %parallel_loop3A_164 = %broadcast_in_dim3A_114) -> (vector<16xf32>, vector<16xf32>)  : i32 {
      %parallel_loop3A_165 = arith.index_cast %parallel_loop3A_162 : i32 to index
      %parallel_loop3A_166 = tpu.vector_load %arg13[%parallel_loop3A_165] {strides = array<i32>} : memref<8192xf32, #tpu.memory_space<vmem>>, vector<16xf32>,
      %parallel_loop3A_167 = vector.shape_cast %parallel_loop3A_166 : vector<16xf32> to vector<16xf32>
      %parallel_loop3A_168 = arith.index_cast %parallel_loop3A_162 : i32 to index
      %parallel_loop3A_169 = tpu.vector_load %arg11[%parallel_loop3A_168] {strides = array<i32>} : memref<8192xf32, #tpu.memory_space<vmem>>, vector<16xf32>,
      %parallel_loop3A_170 = vector.shape_cast %parallel_loop3A_169 : vector<16xf32> to vector<16xf32>
      %parallel_loop3A_171 = arith.constant 9.000000e+00 : f32
      %parallel_loop3A_172 = vector.broadcast %parallel_loop3A_171 : f32 to vector<16xf32>
      %parallel_loop3A_173 = arith.mulf %parallel_loop3A_167, %parallel_loop3A_172 : vector<16xf32>
      %parallel_loop3A_174 = arith.constant 5.000000e-01 : f32
      %parallel_loop3A_175 = vector.broadcast %parallel_loop3A_174 : f32 to vector<16xf32>
      %parallel_loop3A_176 = arith.addf %parallel_loop3A_173, %parallel_loop3A_175 : vector<16xf32>
      %parallel_loop3A_177 = arith.fptosi %parallel_loop3A_176 : vector<16xf32> to vector<16xi32>
      %parallel_loop3A_178 = arith.constant 0 : i32
      %parallel_loop3A_179 = vector.broadcast %parallel_loop3A_178 : i32 to vector<16xi32>
      %parallel_loop3A_180 = arith.cmpi slt, %parallel_loop3A_177, %parallel_loop3A_179 : vector<16xi32>
      %parallel_loop3A_181 = arith.constant 16 : i32
      %parallel_loop3A_182 = vector.broadcast %parallel_loop3A_181 : i32 to vector<16xi32>
      %parallel_loop3A_183 = arith.addi %parallel_loop3A_177, %parallel_loop3A_182 : vector<16xi32>
      %parallel_loop3A_184 = arith.select %parallel_loop3A_180, %parallel_loop3A_183, %parallel_loop3A_177 : vector<16xi1>, vector<16xi32>
      %parallel_loop3A_185 = vector.shape_cast %parallel_loop3A_184 : vector<16xi32> to vector<16x1xi32>
      %parallel_loop3A_186 = vector.shape_cast %parallel_loop3A_185 : vector<16x1xi32> to vector<16xi32>
      %parallel_loop3A_187 = tpu.dynamic_gather %get3A_26[%parallel_loop3A_186] in [0] : vector<16xf32>, vector<16xi32> -> vector<16xf32>
      %parallel_loop3A_188 = arith.constant 0 : i32
      %parallel_loop3A_189 = vector.broadcast %parallel_loop3A_188 : i32 to vector<16xi32>
      %parallel_loop3A_190 = arith.cmpi slt, %parallel_loop3A_177, %parallel_loop3A_189 : vector<16xi32>
      %parallel_loop3A_191 = arith.constant 16 : i32
      %parallel_loop3A_192 = vector.broadcast %parallel_loop3A_191 : i32 to vector<16xi32>
      %parallel_loop3A_193 = arith.addi %parallel_loop3A_177, %parallel_loop3A_192 : vector<16xi32>
      %parallel_loop3A_194 = arith.select %parallel_loop3A_190, %parallel_loop3A_193, %parallel_loop3A_177 : vector<16xi1>, vector<16xi32>
      %parallel_loop3A_195 = vector.shape_cast %parallel_loop3A_194 : vector<16xi32> to vector<16x1xi32>
      %parallel_loop3A_196 = vector.shape_cast %parallel_loop3A_195 : vector<16x1xi32> to vector<16xi32>
      %parallel_loop3A_197 = tpu.dynamic_gather %get3A_29[%parallel_loop3A_196] in [0] : vector<16xf32>, vector<16xi32> -> vector<16xf32>
      %parallel_loop3A_198 = arith.constant 1 : i32
      %parallel_loop3A_199 = vector.broadcast %parallel_loop3A_198 : i32 to vector<16xi32>
      %parallel_loop3A_200 = arith.constant 0 : i32
      %parallel_loop3A_201 = vector.broadcast %parallel_loop3A_200 : i32 to vector<16xi32>
      %parallel_loop3A_202 = arith.cmpf olt, %parallel_loop3A_167, %parallel_loop3A_187 : vector<16xf32>
      %parallel_loop3A_203 = arith.select %parallel_loop3A_202, %parallel_loop3A_199, %parallel_loop3A_201 : vector<16xi1>, vector<16xi32>
      %parallel_loop3A_204 = arith.subi %parallel_loop3A_177, %parallel_loop3A_203 : vector<16xi32>
      %parallel_loop3A_205 = arith.cmpf oge, %parallel_loop3A_167, %parallel_loop3A_197 : vector<16xf32>
      %parallel_loop3A_206 = arith.select %parallel_loop3A_205, %parallel_loop3A_199, %parallel_loop3A_201 : vector<16xi1>, vector<16xi32>
      %parallel_loop3A_207 = arith.addi %parallel_loop3A_204, %parallel_loop3A_206 : vector<16xi32>
      %parallel_loop3A_208 = arith.constant 0 : i32
      %parallel_loop3A_209 = vector.broadcast %parallel_loop3A_208 : i32 to vector<16xi32>
      %parallel_loop3A_210 = arith.cmpi slt, %parallel_loop3A_207, %parallel_loop3A_209 : vector<16xi32>
      %parallel_loop3A_211 = arith.constant 16 : i32
      %parallel_loop3A_212 = vector.broadcast %parallel_loop3A_211 : i32 to vector<16xi32>
      %parallel_loop3A_213 = arith.addi %parallel_loop3A_207, %parallel_loop3A_212 : vector<16xi32>
      %parallel_loop3A_214 = arith.select %parallel_loop3A_210, %parallel_loop3A_213, %parallel_loop3A_207 : vector<16xi1>, vector<16xi32>
      %parallel_loop3A_215 = vector.shape_cast %parallel_loop3A_214 : vector<16xi32> to vector<16x1xi32>
      %parallel_loop3A_216 = vector.shape_cast %parallel_loop3A_215 : vector<16x1xi32> to vector<16xi32>
      %parallel_loop3A_217 = tpu.dynamic_gather %get3A_32[%parallel_loop3A_216] in [0] : vector<16xf32>, vector<16xi32> -> vector<16xf32>
      %parallel_loop3A_218 = arith.subf %parallel_loop3A_167, %parallel_loop3A_170 : vector<16xf32>
      %parallel_loop3A_219 = arith.addf %parallel_loop3A_163, %parallel_loop3A_217 : vector<16xf32>
      %parallel_loop3A_220 = arith.mulf %parallel_loop3A_218, %parallel_loop3A_218 : vector<16xf32>
      %parallel_loop3A_221 = arith.mulf %parallel_loop3A_217, %parallel_loop3A_220 : vector<16xf32>
      %parallel_loop3A_222 = arith.addf %parallel_loop3A_164, %parallel_loop3A_221 : vector<16xf32>
      scf.yield %parallel_loop3A_219, %parallel_loop3A_222 : vector<16xf32>, vector<16xf32>
    } {sc.loop_unroll_factor = 8 : i64, sc.parallel_access}
    %add3A_119 = arith.addf %add3A_99, %parallel_loop3A_118#0 : vector<16xf32>
    %add3A_120 = arith.addf %add3A_100, %parallel_loop3A_118#1 : vector<16xf32>
    %dma_wait3A_121 = tpu.memref_slice %arg2[%add3A_102] : memref<1310720xf32, #tpu.memory_space<hbm>> -> memref<8192xf32, #tpu.memory_space<hbm>>
    %dma_wait3A_122 = tpu.memref_slice %arg2[%add3A_102] : memref<1310720xf32, #tpu.memory_space<hbm>> -> memref<8192xf32, #tpu.memory_space<hbm>>
    tpu.wait_dma2 semaphore(%arg15 : memref<!tpu.dma_semaphore, #tpu.memory_space<semaphore_mem>>) src(%dma_wait3A_122 : memref<8192xf32, #tpu.memory_space<hbm>>) dst(%arg10 : memref<8192xf32, #tpu.memory_space<vmem>>)
    %dma_wait3A_123 = tpu.memref_slice %arg3[%add3A_102] : memref<1310720xf32, #tpu.memory_space<hbm>> -> memref<8192xf32, #tpu.memory_space<hbm>>
    %dma_wait3A_124 = tpu.memref_slice %arg3[%add3A_102] : memref<1310720xf32, #tpu.memory_space<hbm>> -> memref<8192xf32, #tpu.memory_space<hbm>>
    tpu.wait_dma2 semaphore(%arg17 : memref<!tpu.dma_semaphore, #tpu.memory_space<semaphore_mem>>) src(%dma_wait3A_124 : memref<8192xf32, #tpu.memory_space<hbm>>) dst(%arg12 : memref<8192xf32, #tpu.memory_space<vmem>>)
    %broadcast_in_dim3A_125 = arith.constant 0.000000e+00 : f32
    %broadcast_in_dim3A_126 = vector.broadcast %broadcast_in_dim3A_125 : f32 to vector<16xf32>
    %broadcast_in_dim3A_127 = arith.constant 0.000000e+00 : f32
    %broadcast_in_dim3A_128 = vector.broadcast %broadcast_in_dim3A_127 : f32 to vector<16xf32>
    %parallel_loop3A_129 = arith.constant 0 : i32
    %parallel_loop3A_130 = arith.constant 8192 : i32
    %parallel_loop3A_131 = arith.constant 16 : i32
    %parallel_loop3A_132:2 = scf.for %parallel_loop3A_162 = %parallel_loop3A_129 to %parallel_loop3A_130 step %parallel_loop3A_131 iter_args(%parallel_loop3A_163 = %broadcast_in_dim3A_126, %parallel_loop3A_164 = %broadcast_in_dim3A_128) -> (vector<16xf32>, vector<16xf32>)  : i32 {
      %parallel_loop3A_165 = arith.index_cast %parallel_loop3A_162 : i32 to index
      %parallel_loop3A_166 = tpu.vector_load %arg12[%parallel_loop3A_165] {strides = array<i32>} : memref<8192xf32, #tpu.memory_space<vmem>>, vector<16xf32>,
      %parallel_loop3A_167 = vector.shape_cast %parallel_loop3A_166 : vector<16xf32> to vector<16xf32>
      %parallel_loop3A_168 = arith.index_cast %parallel_loop3A_162 : i32 to index
      %parallel_loop3A_169 = tpu.vector_load %arg10[%parallel_loop3A_168] {strides = array<i32>} : memref<8192xf32, #tpu.memory_space<vmem>>, vector<16xf32>,
      %parallel_loop3A_170 = vector.shape_cast %parallel_loop3A_169 : vector<16xf32> to vector<16xf32>
      %parallel_loop3A_171 = arith.constant 9.000000e+00 : f32
      %parallel_loop3A_172 = vector.broadcast %parallel_loop3A_171 : f32 to vector<16xf32>
      %parallel_loop3A_173 = arith.mulf %parallel_loop3A_167, %parallel_loop3A_172 : vector<16xf32>
      %parallel_loop3A_174 = arith.constant 5.000000e-01 : f32
      %parallel_loop3A_175 = vector.broadcast %parallel_loop3A_174 : f32 to vector<16xf32>
      %parallel_loop3A_176 = arith.addf %parallel_loop3A_173, %parallel_loop3A_175 : vector<16xf32>
      %parallel_loop3A_177 = arith.fptosi %parallel_loop3A_176 : vector<16xf32> to vector<16xi32>
      %parallel_loop3A_178 = arith.constant 0 : i32
      %parallel_loop3A_179 = vector.broadcast %parallel_loop3A_178 : i32 to vector<16xi32>
      %parallel_loop3A_180 = arith.cmpi slt, %parallel_loop3A_177, %parallel_loop3A_179 : vector<16xi32>
      %parallel_loop3A_181 = arith.constant 16 : i32
      %parallel_loop3A_182 = vector.broadcast %parallel_loop3A_181 : i32 to vector<16xi32>
      %parallel_loop3A_183 = arith.addi %parallel_loop3A_177, %parallel_loop3A_182 : vector<16xi32>
      %parallel_loop3A_184 = arith.select %parallel_loop3A_180, %parallel_loop3A_183, %parallel_loop3A_177 : vector<16xi1>, vector<16xi32>
      %parallel_loop3A_185 = vector.shape_cast %parallel_loop3A_184 : vector<16xi32> to vector<16x1xi32>
      %parallel_loop3A_186 = vector.shape_cast %parallel_loop3A_185 : vector<16x1xi32> to vector<16xi32>
      %parallel_loop3A_187 = tpu.dynamic_gather %get3A_26[%parallel_loop3A_186] in [0] : vector<16xf32>, vector<16xi32> -> vector<16xf32>
      %parallel_loop3A_188 = arith.constant 0 : i32
      %parallel_loop3A_189 = vector.broadcast %parallel_loop3A_188 : i32 to vector<16xi32>
      %parallel_loop3A_190 = arith.cmpi slt, %parallel_loop3A_177, %parallel_loop3A_189 : vector<16xi32>
      %parallel_loop3A_191 = arith.constant 16 : i32
      %parallel_loop3A_192 = vector.broadcast %parallel_loop3A_191 : i32 to vector<16xi32>
      %parallel_loop3A_193 = arith.addi %parallel_loop3A_177, %parallel_loop3A_192 : vector<16xi32>
      %parallel_loop3A_194 = arith.select %parallel_loop3A_190, %parallel_loop3A_193, %parallel_loop3A_177 : vector<16xi1>, vector<16xi32>
      %parallel_loop3A_195 = vector.shape_cast %parallel_loop3A_194 : vector<16xi32> to vector<16x1xi32>
      %parallel_loop3A_196 = vector.shape_cast %parallel_loop3A_195 : vector<16x1xi32> to vector<16xi32>
      %parallel_loop3A_197 = tpu.dynamic_gather %get3A_29[%parallel_loop3A_196] in [0] : vector<16xf32>, vector<16xi32> -> vector<16xf32>
      %parallel_loop3A_198 = arith.constant 1 : i32
      %parallel_loop3A_199 = vector.broadcast %parallel_loop3A_198 : i32 to vector<16xi32>
      %parallel_loop3A_200 = arith.constant 0 : i32
      %parallel_loop3A_201 = vector.broadcast %parallel_loop3A_200 : i32 to vector<16xi32>
      %parallel_loop3A_202 = arith.cmpf olt, %parallel_loop3A_167, %parallel_loop3A_187 : vector<16xf32>
      %parallel_loop3A_203 = arith.select %parallel_loop3A_202, %parallel_loop3A_199, %parallel_loop3A_201 : vector<16xi1>, vector<16xi32>
      %parallel_loop3A_204 = arith.subi %parallel_loop3A_177, %parallel_loop3A_203 : vector<16xi32>
      %parallel_loop3A_205 = arith.cmpf oge, %parallel_loop3A_167, %parallel_loop3A_197 : vector<16xf32>
      %parallel_loop3A_206 = arith.select %parallel_loop3A_205, %parallel_loop3A_199, %parallel_loop3A_201 : vector<16xi1>, vector<16xi32>
      %parallel_loop3A_207 = arith.addi %parallel_loop3A_204, %parallel_loop3A_206 : vector<16xi32>
      %parallel_loop3A_208 = arith.constant 0 : i32
      %parallel_loop3A_209 = vector.broadcast %parallel_loop3A_208 : i32 to vector<16xi32>
      %parallel_loop3A_210 = arith.cmpi slt, %parallel_loop3A_207, %parallel_loop3A_209 : vector<16xi32>
      %parallel_loop3A_211 = arith.constant 16 : i32
      %parallel_loop3A_212 = vector.broadcast %parallel_loop3A_211 : i32 to vector<16xi32>
      %parallel_loop3A_213 = arith.addi %parallel_loop3A_207, %parallel_loop3A_212 : vector<16xi32>
      %parallel_loop3A_214 = arith.select %parallel_loop3A_210, %parallel_loop3A_213, %parallel_loop3A_207 : vector<16xi1>, vector<16xi32>
      %parallel_loop3A_215 = vector.shape_cast %parallel_loop3A_214 : vector<16xi32> to vector<16x1xi32>
      %parallel_loop3A_216 = vector.shape_cast %parallel_loop3A_215 : vector<16x1xi32> to vector<16xi32>
      %parallel_loop3A_217 = tpu.dynamic_gather %get3A_32[%parallel_loop3A_216] in [0] : vector<16xf32>, vector<16xi32> -> vector<16xf32>
      %parallel_loop3A_218 = arith.subf %parallel_loop3A_167, %parallel_loop3A_170 : vector<16xf32>
      %parallel_loop3A_219 = arith.addf %parallel_loop3A_163, %parallel_loop3A_217 : vector<16xf32>
      %parallel_loop3A_220 = arith.mulf %parallel_loop3A_218, %parallel_loop3A_218 : vector<16xf32>
      %parallel_loop3A_221 = arith.mulf %parallel_loop3A_217, %parallel_loop3A_220 : vector<16xf32>
      %parallel_loop3A_222 = arith.addf %parallel_loop3A_164, %parallel_loop3A_221 : vector<16xf32>
      scf.yield %parallel_loop3A_219, %parallel_loop3A_222 : vector<16xf32>, vector<16xf32>
    } {sc.loop_unroll_factor = 8 : i64, sc.parallel_access}
    %add3A_133 = arith.addf %add3A_119, %parallel_loop3A_132#0 : vector<16xf32>
    %add3A_134 = arith.addf %add3A_120, %parallel_loop3A_132#1 : vector<16xf32>
    %swap3A = arith.constant 0 : i32
    %swap3A_135 = arith.index_cast %swap3A : i32 to index
    %swap3A_136 = arith.constant 0 : index
    %swap3A_137 = tpu.vector_load %arg9[%swap3A_135, %swap3A_136] {strides = array<i32>} : memref<2x16xf32, #tpu.memory_space<vmem>>, vector<1x16xf32>,
    %swap3A_138 = vector.shape_cast %swap3A_137 : vector<1x16xf32> to vector<16xf32>
    %swap3A_139 = vector.shape_cast %add3A_133 : vector<16xf32> to vector<1x16xf32>
    tpu.vector_store %arg9[%swap3A_135, %swap3A_136], %swap3A_139 {strides = array<i32>} : memref<2x16xf32, #tpu.memory_space<vmem>>, vector<1x16xf32>,
    %swap3A_140 = arith.constant 1 : i32
    %swap3A_141 = arith.index_cast %swap3A_140 : i32 to index
    %swap3A_142 = arith.constant 0 : index
    %swap3A_143 = tpu.vector_load %arg9[%swap3A_141, %swap3A_142] {strides = array<i32>} : memref<2x16xf32, #tpu.memory_space<vmem>>, vector<1x16xf32>,
    %swap3A_144 = vector.shape_cast %swap3A_143 : vector<1x16xf32> to vector<16xf32>
    %swap3A_145 = vector.shape_cast %add3A_134 : vector<16xf32> to vector<1x16xf32>
    tpu.vector_store %arg9[%swap3A_141, %swap3A_142], %swap3A_145 {strides = array<i32>} : memref<2x16xf32, #tpu.memory_space<vmem>>, vector<1x16xf32>,
    %dma_start3A_146 = arith.constant 0 : i32
    %dma_start3A_147 = arith.constant 0 : i32
    %dma_start3A_148 = tpu.memref_slice %arg5[%add3A, %dma_start3A_146, %dma_start3A_147] : memref<32x2x16xf32, #tpu.memory_space<hbm>> -> memref<1x2x16xf32, #tpu.memory_space<hbm>>
    %dma_start3A_149 = tpu.memref_squeeze %dma_start3A_148 : memref<1x2x16xf32, #tpu.memory_space<hbm>> -> memref<2x16xf32, #tpu.memory_space<hbm>>
    %dma_start3A_150 = arith.constant 0 : i32
    %dma_start3A_151 = arith.constant 0 : i32
    %dma_start3A_152 = tpu.memref_slice %arg5[%add3A, %dma_start3A_150, %dma_start3A_151] : memref<32x2x16xf32, #tpu.memory_space<hbm>> -> memref<1x2x16xf32, #tpu.memory_space<hbm>>
    %dma_start3A_153 = tpu.memref_squeeze %dma_start3A_152 : memref<1x2x16xf32, #tpu.memory_space<hbm>> -> memref<2x16xf32, #tpu.memory_space<hbm>>
    tpu.enqueue_dma source(%arg9 : memref<2x16xf32, #tpu.memory_space<vmem>>) target(%dma_start3A_153 : memref<2x16xf32, #tpu.memory_space<hbm>>) target_semaphore(%arg19 : memref<!tpu.dma_semaphore, #tpu.memory_space<semaphore_mem>>)
    %dma_wait3A_154 = arith.constant 0 : i32
    %dma_wait3A_155 = arith.constant 0 : i32
    %dma_wait3A_156 = tpu.memref_slice %arg5[%add3A, %dma_wait3A_154, %dma_wait3A_155] : memref<32x2x16xf32, #tpu.memory_space<hbm>> -> memref<1x2x16xf32, #tpu.memory_space<hbm>>
    %dma_wait3A_157 = tpu.memref_squeeze %dma_wait3A_156 : memref<1x2x16xf32, #tpu.memory_space<hbm>> -> memref<2x16xf32, #tpu.memory_space<hbm>>
    %dma_wait3A_158 = arith.constant 0 : i32
    %dma_wait3A_159 = arith.constant 0 : i32
    %dma_wait3A_160 = tpu.memref_slice %arg5[%add3A, %dma_wait3A_158, %dma_wait3A_159] : memref<32x2x16xf32, #tpu.memory_space<hbm>> -> memref<1x2x16xf32, #tpu.memory_space<hbm>>
    %dma_wait3A_161 = tpu.memref_squeeze %dma_wait3A_160 : memref<1x2x16xf32, #tpu.memory_space<hbm>> -> memref<2x16xf32, #tpu.memory_space<hbm>>
    tpu.wait_dma2 semaphore(%arg19 : memref<!tpu.dma_semaphore, #tpu.memory_space<semaphore_mem>>) src(%arg9 : memref<2x16xf32, #tpu.memory_space<vmem>>) dst(%dma_wait3A_161 : memref<2x16xf32, #tpu.memory_space<hbm>>)
    return
  }
}

module attributes {stable_mosaic.version = 14 : i64} {
  func.func @_tc_body(%arg0: i32, %arg1: memref<2x16xf32, #tpu.memory_space<smem>>, %arg2: memref<176x4096xf32, #tpu.memory_space<vmem>>, %arg3: memref<176x4096xf32, #tpu.memory_space<vmem>>, %arg4: memref<1x1xf32, #tpu.memory_space<smem>>, %arg5: memref<1x1xf32, #tpu.memory_space<smem>>) attributes {dimension_semantics = [#tpu.dimension_semantics<arbitrary>], iteration_bounds = array<i64: 4>, scalar_prefetch = 0 : i64, scratch_operands = 0 : i64, tpu.core_type = #tpu.core_type<tc>, window_params = [{transform_indices = @transform_0, window_bounds = array<i64: 2, 16>}, {transform_indices = @transform_1, window_bounds = array<i64: 176, 4096>}, {transform_indices = @transform_2, window_bounds = array<i64: 176, 4096>}, {transform_indices = @transform_3, window_bounds = array<i64: 1, 1>}, {transform_indices = @transform_4, window_bounds = array<i64: 1, 1>}]} {
    %eq3A = arith.constant 0 : i32
    %eq3A_0 = arith.cmpi eq, %arg0, %eq3A : i32
    %convert_element_type3A = arith.extui %eq3A_0 : i1 to i32
    %cond3A = arith.constant 0 : i32
    %cond3A_1 = arith.cmpi ne, %convert_element_type3A, %cond3A : i32
    scf.if %cond3A_1 {
      %swap3A_146 = arith.constant 0.000000e+00 : f32
      %swap3A_147 = arith.constant 0 : index
      %swap3A_148 = arith.constant 0 : index
      %swap3A_149 = memref.load %arg4[%swap3A_147, %swap3A_148] : memref<1x1xf32, #tpu.memory_space<smem>>
      memref.store %swap3A_146, %arg4[%swap3A_147, %swap3A_148] : memref<1x1xf32, #tpu.memory_space<smem>>
      %swap3A_150 = arith.constant 0.000000e+00 : f32
      %swap3A_151 = arith.constant 0 : index
      %swap3A_152 = arith.constant 0 : index
      %swap3A_153 = memref.load %arg5[%swap3A_151, %swap3A_152] : memref<1x1xf32, #tpu.memory_space<smem>>
      memref.store %swap3A_150, %arg5[%swap3A_151, %swap3A_152] : memref<1x1xf32, #tpu.memory_space<smem>>
    } else {
    }
    %get3A = arith.constant 0 : index
    %get3A_2 = arith.constant 0 : index
    %get3A_3 = vector.load %arg3[%get3A, %get3A_2] : memref<176x4096xf32, #tpu.memory_space<vmem>>, vector<176x4096xf32>
    %get3A_4 = arith.constant 0 : index
    %get3A_5 = arith.constant 0 : index
    %get3A_6 = vector.load %arg2[%get3A_4, %get3A_5] : memref<176x4096xf32, #tpu.memory_space<vmem>>, vector<176x4096xf32>
    %sub3A = arith.subf %get3A_3, %get3A_6 : vector<176x4096xf32>
    %mul3A = arith.mulf %sub3A, %sub3A : vector<176x4096xf32>
    %get3A_7 = arith.constant 1 : index
    %get3A_8 = arith.constant 15 : index
    %get3A_9 = memref.load %arg1[%get3A_7, %get3A_8] : memref<2x16xf32, #tpu.memory_space<smem>>
    %broadcast_in_dim3A = vector.broadcast %get3A_9 : f32 to vector<176x4096xf32>
    %get3A_10 = arith.constant 0 : index
    %get3A_11 = arith.constant 0 : index
    %get3A_12 = memref.load %arg1[%get3A_10, %get3A_11] : memref<2x16xf32, #tpu.memory_space<smem>>
    %ge3A = vector.broadcast %get3A_12 : f32 to vector<176x4096xf32>
    %ge3A_13 = arith.cmpf oge, %get3A_3, %ge3A : vector<176x4096xf32>
    %get3A_14 = arith.constant 1 : index
    %get3A_15 = arith.constant 0 : index
    %get3A_16 = memref.load %arg1[%get3A_14, %get3A_15] : memref<2x16xf32, #tpu.memory_space<smem>>
    %jit3A = arith.constant 0.000000e+00 : f32
    %broadcast_in_dim3A_17 = vector.broadcast %get3A_16 : f32 to vector<176x4096xf32>
    %broadcast_in_dim3A_18 = vector.broadcast %jit3A : f32 to vector<176x4096xf32>
    %select_n3A = arith.select %ge3A_13, %broadcast_in_dim3A_17, %broadcast_in_dim3A_18 : vector<176x4096xi1>, vector<176x4096xf32>
    %add3A = arith.addf %broadcast_in_dim3A, %select_n3A : vector<176x4096xf32>
    %get3A_19 = arith.constant 0 : index
    %get3A_20 = arith.constant 1 : index
    %get3A_21 = memref.load %arg1[%get3A_19, %get3A_20] : memref<2x16xf32, #tpu.memory_space<smem>>
    %ge3A_22 = vector.broadcast %get3A_21 : f32 to vector<176x4096xf32>
    %ge3A_23 = arith.cmpf oge, %get3A_3, %ge3A_22 : vector<176x4096xf32>
    %get3A_24 = arith.constant 1 : index
    %get3A_25 = arith.constant 1 : index
    %get3A_26 = memref.load %arg1[%get3A_24, %get3A_25] : memref<2x16xf32, #tpu.memory_space<smem>>
    %jit3A_27 = arith.constant 0.000000e+00 : f32
    %broadcast_in_dim3A_28 = vector.broadcast %get3A_26 : f32 to vector<176x4096xf32>
    %broadcast_in_dim3A_29 = vector.broadcast %jit3A_27 : f32 to vector<176x4096xf32>
    %select_n3A_30 = arith.select %ge3A_23, %broadcast_in_dim3A_28, %broadcast_in_dim3A_29 : vector<176x4096xi1>, vector<176x4096xf32>
    %add3A_31 = arith.addf %add3A, %select_n3A_30 : vector<176x4096xf32>
    %get3A_32 = arith.constant 0 : index
    %get3A_33 = arith.constant 2 : index
    %get3A_34 = memref.load %arg1[%get3A_32, %get3A_33] : memref<2x16xf32, #tpu.memory_space<smem>>
    %ge3A_35 = vector.broadcast %get3A_34 : f32 to vector<176x4096xf32>
    %ge3A_36 = arith.cmpf oge, %get3A_3, %ge3A_35 : vector<176x4096xf32>
    %get3A_37 = arith.constant 1 : index
    %get3A_38 = arith.constant 2 : index
    %get3A_39 = memref.load %arg1[%get3A_37, %get3A_38] : memref<2x16xf32, #tpu.memory_space<smem>>
    %jit3A_40 = arith.constant 0.000000e+00 : f32
    %broadcast_in_dim3A_41 = vector.broadcast %get3A_39 : f32 to vector<176x4096xf32>
    %broadcast_in_dim3A_42 = vector.broadcast %jit3A_40 : f32 to vector<176x4096xf32>
    %select_n3A_43 = arith.select %ge3A_36, %broadcast_in_dim3A_41, %broadcast_in_dim3A_42 : vector<176x4096xi1>, vector<176x4096xf32>
    %add3A_44 = arith.addf %add3A_31, %select_n3A_43 : vector<176x4096xf32>
    %get3A_45 = arith.constant 0 : index
    %get3A_46 = arith.constant 3 : index
    %get3A_47 = memref.load %arg1[%get3A_45, %get3A_46] : memref<2x16xf32, #tpu.memory_space<smem>>
    %ge3A_48 = vector.broadcast %get3A_47 : f32 to vector<176x4096xf32>
    %ge3A_49 = arith.cmpf oge, %get3A_3, %ge3A_48 : vector<176x4096xf32>
    %get3A_50 = arith.constant 1 : index
    %get3A_51 = arith.constant 3 : index
    %get3A_52 = memref.load %arg1[%get3A_50, %get3A_51] : memref<2x16xf32, #tpu.memory_space<smem>>
    %jit3A_53 = arith.constant 0.000000e+00 : f32
    %broadcast_in_dim3A_54 = vector.broadcast %get3A_52 : f32 to vector<176x4096xf32>
    %broadcast_in_dim3A_55 = vector.broadcast %jit3A_53 : f32 to vector<176x4096xf32>
    %select_n3A_56 = arith.select %ge3A_49, %broadcast_in_dim3A_54, %broadcast_in_dim3A_55 : vector<176x4096xi1>, vector<176x4096xf32>
    %add3A_57 = arith.addf %add3A_44, %select_n3A_56 : vector<176x4096xf32>
    %get3A_58 = arith.constant 0 : index
    %get3A_59 = arith.constant 4 : index
    %get3A_60 = memref.load %arg1[%get3A_58, %get3A_59] : memref<2x16xf32, #tpu.memory_space<smem>>
    %ge3A_61 = vector.broadcast %get3A_60 : f32 to vector<176x4096xf32>
    %ge3A_62 = arith.cmpf oge, %get3A_3, %ge3A_61 : vector<176x4096xf32>
    %get3A_63 = arith.constant 1 : index
    %get3A_64 = arith.constant 4 : index
    %get3A_65 = memref.load %arg1[%get3A_63, %get3A_64] : memref<2x16xf32, #tpu.memory_space<smem>>
    %jit3A_66 = arith.constant 0.000000e+00 : f32
    %broadcast_in_dim3A_67 = vector.broadcast %get3A_65 : f32 to vector<176x4096xf32>
    %broadcast_in_dim3A_68 = vector.broadcast %jit3A_66 : f32 to vector<176x4096xf32>
    %select_n3A_69 = arith.select %ge3A_62, %broadcast_in_dim3A_67, %broadcast_in_dim3A_68 : vector<176x4096xi1>, vector<176x4096xf32>
    %add3A_70 = arith.addf %add3A_57, %select_n3A_69 : vector<176x4096xf32>
    %get3A_71 = arith.constant 0 : index
    %get3A_72 = arith.constant 5 : index
    %get3A_73 = memref.load %arg1[%get3A_71, %get3A_72] : memref<2x16xf32, #tpu.memory_space<smem>>
    %ge3A_74 = vector.broadcast %get3A_73 : f32 to vector<176x4096xf32>
    %ge3A_75 = arith.cmpf oge, %get3A_3, %ge3A_74 : vector<176x4096xf32>
    %get3A_76 = arith.constant 1 : index
    %get3A_77 = arith.constant 5 : index
    %get3A_78 = memref.load %arg1[%get3A_76, %get3A_77] : memref<2x16xf32, #tpu.memory_space<smem>>
    %jit3A_79 = arith.constant 0.000000e+00 : f32
    %broadcast_in_dim3A_80 = vector.broadcast %get3A_78 : f32 to vector<176x4096xf32>
    %broadcast_in_dim3A_81 = vector.broadcast %jit3A_79 : f32 to vector<176x4096xf32>
    %select_n3A_82 = arith.select %ge3A_75, %broadcast_in_dim3A_80, %broadcast_in_dim3A_81 : vector<176x4096xi1>, vector<176x4096xf32>
    %add3A_83 = arith.addf %add3A_70, %select_n3A_82 : vector<176x4096xf32>
    %get3A_84 = arith.constant 0 : index
    %get3A_85 = arith.constant 6 : index
    %get3A_86 = memref.load %arg1[%get3A_84, %get3A_85] : memref<2x16xf32, #tpu.memory_space<smem>>
    %ge3A_87 = vector.broadcast %get3A_86 : f32 to vector<176x4096xf32>
    %ge3A_88 = arith.cmpf oge, %get3A_3, %ge3A_87 : vector<176x4096xf32>
    %get3A_89 = arith.constant 1 : index
    %get3A_90 = arith.constant 6 : index
    %get3A_91 = memref.load %arg1[%get3A_89, %get3A_90] : memref<2x16xf32, #tpu.memory_space<smem>>
    %jit3A_92 = arith.constant 0.000000e+00 : f32
    %broadcast_in_dim3A_93 = vector.broadcast %get3A_91 : f32 to vector<176x4096xf32>
    %broadcast_in_dim3A_94 = vector.broadcast %jit3A_92 : f32 to vector<176x4096xf32>
    %select_n3A_95 = arith.select %ge3A_88, %broadcast_in_dim3A_93, %broadcast_in_dim3A_94 : vector<176x4096xi1>, vector<176x4096xf32>
    %add3A_96 = arith.addf %add3A_83, %select_n3A_95 : vector<176x4096xf32>
    %get3A_97 = arith.constant 0 : index
    %get3A_98 = arith.constant 7 : index
    %get3A_99 = memref.load %arg1[%get3A_97, %get3A_98] : memref<2x16xf32, #tpu.memory_space<smem>>
    %ge3A_100 = vector.broadcast %get3A_99 : f32 to vector<176x4096xf32>
    %ge3A_101 = arith.cmpf oge, %get3A_3, %ge3A_100 : vector<176x4096xf32>
    %get3A_102 = arith.constant 1 : index
    %get3A_103 = arith.constant 7 : index
    %get3A_104 = memref.load %arg1[%get3A_102, %get3A_103] : memref<2x16xf32, #tpu.memory_space<smem>>
    %jit3A_105 = arith.constant 0.000000e+00 : f32
    %broadcast_in_dim3A_106 = vector.broadcast %get3A_104 : f32 to vector<176x4096xf32>
    %broadcast_in_dim3A_107 = vector.broadcast %jit3A_105 : f32 to vector<176x4096xf32>
    %select_n3A_108 = arith.select %ge3A_101, %broadcast_in_dim3A_106, %broadcast_in_dim3A_107 : vector<176x4096xi1>, vector<176x4096xf32>
    %add3A_109 = arith.addf %add3A_96, %select_n3A_108 : vector<176x4096xf32>
    %get3A_110 = arith.constant 0 : index
    %get3A_111 = arith.constant 8 : index
    %get3A_112 = memref.load %arg1[%get3A_110, %get3A_111] : memref<2x16xf32, #tpu.memory_space<smem>>
    %ge3A_113 = vector.broadcast %get3A_112 : f32 to vector<176x4096xf32>
    %ge3A_114 = arith.cmpf oge, %get3A_3, %ge3A_113 : vector<176x4096xf32>
    %get3A_115 = arith.constant 1 : index
    %get3A_116 = arith.constant 8 : index
    %get3A_117 = memref.load %arg1[%get3A_115, %get3A_116] : memref<2x16xf32, #tpu.memory_space<smem>>
    %jit3A_118 = arith.constant 0.000000e+00 : f32
    %broadcast_in_dim3A_119 = vector.broadcast %get3A_117 : f32 to vector<176x4096xf32>
    %broadcast_in_dim3A_120 = vector.broadcast %jit3A_118 : f32 to vector<176x4096xf32>
    %select_n3A_121 = arith.select %ge3A_114, %broadcast_in_dim3A_119, %broadcast_in_dim3A_120 : vector<176x4096xi1>, vector<176x4096xf32>
    %add3A_122 = arith.addf %add3A_109, %select_n3A_121 : vector<176x4096xf32>
    %get3A_123 = arith.constant 0 : index
    %get3A_124 = arith.constant 0 : index
    %get3A_125 = memref.load %arg4[%get3A_123, %get3A_124] : memref<1x1xf32, #tpu.memory_space<smem>>
    %reduce_sum3A = vector.shape_cast %add3A_122 : vector<176x4096xf32> to vector<1x176x4096xf32>
    %reduce_sum3A_126 = arith.constant dense<0.000000e+00> : vector<1xf32>
    %reduce_sum3A_127 = vector.multi_reduction <add>, %reduce_sum3A, %reduce_sum3A_126 [1, 2] : vector<1x176x4096xf32> to vector<1xf32>
    %reduce_sum3A_128 = vector.shape_cast %reduce_sum3A_127 : vector<1xf32> to vector<1x1x1xf32>
    %reduce_sum3A_129 = vector.extract %reduce_sum3A_128[0, 0, 0] : f32 from vector<1x1x1xf32>
    %add3A_130 = arith.addf %get3A_125, %reduce_sum3A_129 : f32
    %swap3A = arith.constant 0 : index
    %swap3A_131 = arith.constant 0 : index
    %swap3A_132 = memref.load %arg4[%swap3A, %swap3A_131] : memref<1x1xf32, #tpu.memory_space<smem>>
    memref.store %add3A_130, %arg4[%swap3A, %swap3A_131] : memref<1x1xf32, #tpu.memory_space<smem>>
    %get3A_133 = arith.constant 0 : index
    %get3A_134 = arith.constant 0 : index
    %get3A_135 = memref.load %arg5[%get3A_133, %get3A_134] : memref<1x1xf32, #tpu.memory_space<smem>>
    %mul3A_136 = arith.mulf %add3A_122, %mul3A : vector<176x4096xf32>
    %reduce_sum3A_137 = vector.shape_cast %mul3A_136 : vector<176x4096xf32> to vector<1x176x4096xf32>
    %reduce_sum3A_138 = arith.constant dense<0.000000e+00> : vector<1xf32>
    %reduce_sum3A_139 = vector.multi_reduction <add>, %reduce_sum3A_137, %reduce_sum3A_138 [1, 2] : vector<1x176x4096xf32> to vector<1xf32>
    %reduce_sum3A_140 = vector.shape_cast %reduce_sum3A_139 : vector<1xf32> to vector<1x1x1xf32>
    %reduce_sum3A_141 = vector.extract %reduce_sum3A_140[0, 0, 0] : f32 from vector<1x1x1xf32>
    %add3A_142 = arith.addf %get3A_135, %reduce_sum3A_141 : f32
    %swap3A_143 = arith.constant 0 : index
    %swap3A_144 = arith.constant 0 : index
    %swap3A_145 = memref.load %arg5[%swap3A_143, %swap3A_144] : memref<1x1xf32, #tpu.memory_space<smem>>
    memref.store %add3A_142, %arg5[%swap3A_143, %swap3A_144] : memref<1x1xf32, #tpu.memory_space<smem>>
    return
  }
  func.func @transform_0(%arg0: i32) -> (i32, i32) {
    %c0_i32 = arith.constant 0 : i32
    %c0_i32_0 = arith.constant 0 : i32
    %c0_i32_1 = arith.constant 0 : i32
    return %c0_i32, %c0_i32_0 : i32, i32
  }
  func.func @transform_1(%arg0: i32) -> (i32, i32) {
    %c0_i32 = arith.constant 0 : i32
    %c0_i32_0 = arith.constant 0 : i32
    return %arg0, %c0_i32 : i32, i32
  }
  func.func @transform_2(%arg0: i32) -> (i32, i32) {
    %c0_i32 = arith.constant 0 : i32
    %c0_i32_0 = arith.constant 0 : i32
    return %arg0, %c0_i32 : i32, i32
  }
  func.func @transform_3(%arg0: i32) -> (i32, i32) {
    %c0_i32 = arith.constant 0 : i32
    %c0_i32_0 = arith.constant 0 : i32
    %c0_i32_1 = arith.constant 0 : i32
    return %c0_i32, %c0_i32_0 : i32, i32
  }
  func.func @transform_4(%arg0: i32) -> (i32, i32) {
    %c0_i32 = arith.constant 0 : i32
    %c0_i32_0 = arith.constant 0 : i32
    %c0_i32_1 = arith.constant 0 : i32
    return %c0_i32, %c0_i32_0 : i32, i32
  }
}

</mosaic_0001>

<sc_bundles>
// kernel: kernel.4.cloned.1.call-start
scs
__scs_entry_jumppad:
0x0: {  	(pc) =	sbr.rel $0x88, $3  }
0x1: {  	(tag) =	ssettag $0x0;
	lr =	simm.s32 $0x1  }
0x2: {  	[smem:$0x3F9D] =	sst lr;
	_ =	strace $0xD0000000  }
0x3: {  	_ = 	snop  }
0x4: {  	_ = 	snop  }
0x5: {  	_ = 	snop  }
0x6: {  	_ = 	snop  }
0x7: {  	_ = 	snop  }
__scs_overlays_trampoline_lowered:
0x8: {  	[smem:$0x3FAC] =	sst s0  }
0x9: {  	[smem:$0x3FAD] =	sst s1  }
0xa: {  	[smem:$0x3FAE] =	sst s2  }
0xb: {  	[smem:$0x3FAF] =	sst s3  }
0xc: {  	[smem:$0x3FB0] =	sst s4  }
0xd: {  	[smem:$0x3FB1] =	sst s5  }
0xe: {  	[smem:$0x3FB2] =	sst s6  }
0xf: {  	[smem:$0x3FB3] =	sst s7  }
0x10: {  	[smem:$0x3FB4] =	sst s8  }
0x11: {  	[smem:$0x3FB5] =	sst s9;
	s0 =	simm.s32 @!p0 $0x0  }
0x12: {  	s1 =	sld [smem:$0x3F9B];
	s0 =	simm.s32 @p0 $0x1  }
0x13: {  	[smem:$0x3FB6] =	sst s0;
	s0 =	simm.s32 @!p1 $0x0  }
0x14: {  	s2 =	sld [smem:$0x3F9A];
	s0 =	simm.s32 @p1 $0x1  }
0x15: {  	[smem:$0x3FB7] =	sst s0;
	s0 =	simm.s32 @!p2 $0x0  }
0x16: {  	s3 =	sld [smem:$0x3FDB];
	s0 =	simm.s32 @p2 $0x1  }
0x17: {  	s4 =	simm.s32 $0x1BF5;
	[smem:$0x3FB9] =	sst s0  }
0x18: {  	s0 =	sld [smem:$0x3F9C];
	_ =	swait.ge [sflag:s4], $0x0  }
0x19: {  	s7 =	sld [smem:$0x3F9D]  }
0x1a: {  	s8 =	sadd.s32 $0xFFFFE003, lr  }
0x1b: {  	s9 =	sadd.s32 $0xFFFFFEF7, lr;
	s5 =	simm.s32 $0xFFFFFFFF;
	p2 =	slt.u32 s8, $0xFFFFF086  }
0x1c: {  	p1 =	slt.u32 s9, $0xF7A;
	s5 =	simm.s32 @!p2 $0x0  }
0x1d: {  	s5 =	simm.s32 @p1 $0x1;
	p0 =	seq.s32 s7, s2  }
0x1e: {  	s7 =	smul.u32 @!p0 $0xF7A, s2;
	p2 =	seq.s32 @!p0 s5, $0x0  }
0x1f: {  	s9 =	smul.u32 $0xF7A, s1;
	s8 =	simm.s32 @!p0 $0x1BF5;
	p2 =	por !p2, p0  }
0x20: {  	[sflag:s8] =	ssyncset.s32 @!p0 $0xFFFFF086;
	s6 =	sadd.s32 @!p0 s3, s7;
	s7 =	simm.s32 @!p0 $0x108  }
0x21: {  	s3 =	sadd.s32 s3, s9;
	s6 =	sadd.s32 @!p0 $0x88, s6;
	s7 =	simm.s32 @p2 $0x1082  }
0x22: {  	[simem:s7], [sflag:s8] =	dma.local @!p0 [hbm:s6], $0xF7A  }
0x23: {  	s9 =	sor.u32 $0xD0000000, s2;
	s6 =	simm.s32 $0x108;
	_ =	swait.ge @!p0 [sflag:s8], $0x0  }
0x24: {  	s3 =	sadd.s32 $0x88, s3;
	s6 =	simm.s32 @!p1 $0x1082;
	[sflag:s4] =	ssyncset.s32 $0xFFFFF086  }
0x25: {  	[simem:s6], [sflag:s4] =	dma.local [hbm:s3], $0xF7A  }
0x26: {  	[smem:$0x3F9D] =	sst s1;
	(tag) =	ssettag s2;
	_ =	strace s9  }
0x27: {  	s1 =	sld [smem:$0x3FAD]  }
0x28: {  	s2 =	sld [smem:$0x3FAE]  }
0x29: {  	s4 =	sld [smem:$0x3FB0]  }
0x2a: {  	p0 =	seq.s32 s5, $0x0;
	s5 =	sld [smem:$0x3FB1]  }
0x2b: {  	s6 =	sld [smem:$0x3FB2]  }
0x2c: {  	s7 =	sld [smem:$0x3FB3]  }
0x2d: {  	s3 =	simm.s32 $0x108;
	s8 =	sld [smem:$0x3FB4]  }
0x2e: {  	s3 =	simm.s32 @!p0 $0x1082;
	s9 =	sld [smem:$0x3FB5]  }
0x2f: {  	lr =	sadd.s32 s0, s3;
	s0 =	sld [smem:$0x3FAC]  }
0x30: {  	s3 =	sld [smem:$0x3FAF]  }
0x31: {  	[smem:$0x3FB8] =	sst s10  }
0x32: {  	s10 =	sld [smem:$0x3FB6];
	_ =	sdelay $0x3  }
0x33: {  	p0 =	seq.s32 s10, $0x1;
	s10 =	sld [smem:$0x3FB8];
	_ =	sdelay $0x3  }
0x34: {  	[smem:$0x3FB8] =	sst s10  }
0x35: {  	s10 =	sld [smem:$0x3FB7];
	_ =	sdelay $0x3  }
0x36: {  	p1 =	seq.s32 s10, $0x1;
	s10 =	sld [smem:$0x3FB8];
	_ =	sdelay $0x3  }
0x37: {  	[smem:$0x3FB8] =	sst s10  }
0x38: {  	s10 =	sld [smem:$0x3FB9]  }
0x39: {  	_ = 	snop;
	(pc) =	sbr.ind lr, $3  }
0x3a: {  	_ = 	snop  }
0x3b: {  	_ = 	snop  }
0x3c: {  	p2 =	seq.s32 s10, $0x1;
	s10 =	sld [smem:$0x3FB8]  }
0x3d: {  	_ =	shalt  }
0x3e: {  	_ =	shalt  }
0x3f: {  	_ =	shalt  }
0x40: {  	_ =	shalt  }
0x41: {  	_ =	shalt  }
0x42: {  	_ =	shalt  }
0x43: {  	_ =	shalt  }
0x44: {  	_ =	shalt  }
0x45: {  	_ =	shalt  }
0x46: {  	_ =	shalt  }
0x47: {  	_ =	shalt  }
0x48: {  	_ =	shalt  }
0x49: {  	_ =	shalt  }
0x4a: {  	_ =	shalt  }
0x4b: {  	_ =	shalt  }
0x4c: {  	_ =	shalt  }
0x4d: {  	_ =	shalt  }
0x4e: {  	_ =	shalt  }
0x4f: {  	_ =	shalt  }
0x50: {  	_ =	shalt  }
0x51: {  	_ =	shalt  }
0x52: {  	_ =	shalt  }
0x53: {  	_ =	shalt  }
0x54: {  	_ =	shalt  }
0x55: {  	_ =	shalt  }
0x56: {  	_ =	shalt  }
0x57: {  	_ =	shalt  }
0x58: {  	_ =	shalt  }
0x59: {  	_ =	shalt  }
0x5a: {  	_ =	shalt  }
0x5b: {  	_ =	shalt  }
0x5c: {  	_ =	shalt  }
0x5d: {  	_ =	shalt  }
0x5e: {  	_ =	shalt  }
0x5f: {  	_ =	shalt  }
0x60: {  	_ =	shalt  }
0x61: {  	_ =	shalt  }
0x62: {  	_ =	shalt  }
0x63: {  	_ =	shalt  }
0x64: {  	_ =	shalt  }
0x65: {  	_ =	shalt  }
0x66: {  	_ =	shalt  }
0x67: {  	_ =	shalt  }
0x68: {  	_ =	shalt  }
0x69: {  	_ =	shalt  }
0x6a: {  	_ =	shalt  }
0x6b: {  	_ =	shalt  }
0x6c: {  	_ =	shalt  }
0x6d: {  	_ =	shalt  }
0x6e: {  	_ =	shalt  }
0x6f: {  	_ =	shalt  }
0x70: {  	_ =	shalt  }
0x71: {  	_ =	shalt  }
0x72: {  	_ =	shalt  }
0x73: {  	_ =	shalt  }
0x74: {  	_ =	shalt  }
0x75: {  	_ =	shalt  }
0x76: {  	_ =	shalt  }
0x77: {  	_ =	shalt  }
0x78: {  	_ =	shalt  }
0x79: {  	_ =	shalt  }
0x7a: {  	_ =	shalt  }
0x7b: {  	_ =	shalt  }
0x7c: {  	_ =	shalt  }
0x7d: {  	_ =	shalt  }
0x7e: {  	_ =	shalt  }
0x7f: {  	_ =	shalt  }
0x80: {  	_ =	shalt  }
0x81: {  	_ =	shalt  }
0x82: {  	_ =	shalt  }
0x83: {  	_ =	shalt  }
0x84: {  	_ =	shalt  }
0x85: {  	_ =	shalt  }
0x86: {  	_ =	shalt  }
0x87: {  	_ =	shalt  }
.Lfunc_end0:
.L_simem_size_0:
called_computation_lowered:
.L_overlay_start_0:
0x88: {  	s2 =	sld [smem:$0x3FD9]  }
0x89: {  	s3 =	sld [smem:$0x3FFE];
	_ =	sdelay $0x1  }
0x8a: {  	s1 =	srdreg.scid  }
0x8b: {  	s0 =	sand.u32 $0x1, s1  }
0x8c: {  	s17 =	sshll.u32 s0, $0xA;
	s2 =	sadd.s32 s3, s2  }
0x8d: {  	s2 =	sadd.s32 s2, s17  }
0x8e: {  	[smem:$0x3FC4] =	sst s2  }
0x8f: {  	_ = 	snop  }
0x90: {  	s2 =	sld [smem:$0x3FD0];
	(tm) =	ssettm $0x1  }
0x91: {  	s18 =	sld [smem:$0x3FFB];
	_ =	sdelay $0x3  }
0x92: {  	_ =	strace s18  }
0x93: {  	s3 =	sld [smem:$0x3FFC];
	_ =	sdelay $0x3  }
0x94: {  	_ =	strace s3  }
0x95: {  	s3 =	sld [smem:$0x3FFD];
	_ =	sdelay $0x3  }
0x96: {  	_ =	strace s3  }
0x97: {  	_ =	strace $0x8FFFFFFF  }
0x98: {  	s19 =	sld [smem:$0x3FDB];
	_ =	sdelay $0x1  }
0x99: {  	s4 =	simm.s32 $_scs_section_size  }
0x9a: {  	s5 =	simm.s32 $_size__tile_overlayer_lowered;
	s6 =	simm.s32 $_tile_overlayer_lowered  }
0x9b: {  	s22 =	simm.s32 $0x1BFF;
	s21 =	sshll.u32 s6, $0x1;
	s3 =	sadd.s32 s4, s19  }
0x9c: {  	s7 =	simm.s32 $0x0;
	s20 =	sshll.u32 s5, $0x1;
	s5 =	sadd.s32 s21, s3  }
0x9d: {  	[timem:s7], [sflag:s22] =	dma.local [hbm:s5], s20  }
0x9e: {  	_ =	swait.ge [sflag:s22], s20  }
0x9f: {  	s4 =	ssub.s32 $0x0, s20;
	[sflag:s22] =	ssyncset.done $0x0  }
0xa0: {  	[sflag:s22] =	ssyncadd.s32 s4;
	_ =	sdelay $0x1  }
0xa1: {  	s23 =	simm.s32 $0x1B8B  }
0xa2: {  	_ =	swait.ge [sflag:s23], $0x1  }
0xa3: {  	[sflag:s23] =	ssyncset.done $0x0  }
0xa4: {  	s25 =	simm.s32 $0x1B8E;
	s24 =	sld [smem:$0x3FFE];
	[sflag:s23] =	ssyncadd.s32 $0xFFFFFFFF  }
0xa5: {  	s26 =	simm.s32 $execute0_lowered;
	[smem:$0x3FD2] =	sst s25  }
0xa6: {  	s5 =	sshll.u32 s26, $0x1;
	_ =	strace $0x80000046;
	[dreg:$0x1] =	wrdreg $0xFFFFFFFF  }
0xa7: {  	s28 =	simm.s32 $_size_execute0_lowered;
	s3 =	sadd.s32 s3, s5;
	[dreg:$0x0] =	wrdreg $0x0  }
0xa8: {  	s5 =	sshll.u32 s28, $0x1;
	[dreg:$0x2] =	wrdreg s3  }
0xa9: {  	[dreg:$0x3] =	wrdreg s5  }
0xaa: {  	[dreg:$0x4] =	wrdreg $0xC0  }
0xab: {  	_ =	task [dreg:s7], $0x5FFFF  }
0xac: {  	[dreg:$0x1] =	wrdreg $0xFFFFFFFF  }
0xad: {  	[dreg:$0x0] =	wrdreg $0x60  }
0xae: {  	[dreg:$0x2] =	wrdreg s24  }
0xaf: {  	[dreg:$0x3] =	wrdreg s2  }
0xb0: {  	[dreg:$0x4] =	wrdreg $0x9  }
0xb1: {  	_ =	task.clear_ibuf [dreg:s7], $0x5FFFF;
	_ =	strace $0x90000046  }
0xb2: {  	s29 =	simm.s32 $0x9;
	_ =	strace $0x80000048  }
0xb3: {  	_ =	swait.ge [sflag:s29], $0x1  }
0xb4: {  	[sflag:s29] =	ssyncadd.s32 $0xFFFFFFFF  }
0xb5: {  	_ =	strace $0x90000048  }
0xb6: {  	_ =	sfence  }
0xb7: {  	s30 =	sld [smem:$0x0];
	_ =	sdelay $0x2  }
0xb8: {  	s31 =	sshll.u32 s1, $0xD;
	s1 =	sshrl.u32 s1, $0x2  }
0xb9: {  	s3 =	sand.u32 $0x4000, s31;
	s1 =	sadd.s32 s1, s30  }
0xba: {  	s0 =	sor.u32 s3, s0;
	s1 =	sshll.u32 s1, $0x11  }
0xbb: {  	s0 =	sor.u32 s1, s0  }
0xbc: {  	s0 =	sadd.s32 $0x8F2B, s0  }
0xbd: {  	[sflag:s0] =	ssyncadd.remote.s32 $0x1  }
0xbe: {  	_ =	sfence.sel $0xFFFF  }
0xbf: {  	[dreg:$0x0] =	wrdreg $0xFFFFFFFF;
	(pc) =	sbr.abs _section_cstart, $3  }
0xc0: {  	[dreg:$0x1] =	wrdreg $0xFFFFFFFF  }
0xc1: {  	_ =	task.clear_ibuf [dreg:s7], $0x2FFFF;
	_ =	strace $0x9FFFFFFF  }
0xc2: {  	(tm) =	ssettm $0x7FFFFFFF  }
0xc3: {  	_ =	shalt  }
tec
execute0_lowered:
.L_overlay_start_1:
0x0: {  	(tag) =	ssettag $0x1  }
0x1: {  	s0 =	rddreg [dreg:$0x0]  }
0x2: {  	s1 =	rddreg [dreg:$0x1];
	s3 =	simm.s32 $0x0;
	s2 =	srdreg.scid  }
0x3: {  	s4 =	stileid.u32;
	s18 =	simm.s32 $0x1;
	s21 =	simm.s32 $0x2280  }
0x4: {  	s22 =	simm.s32 $0x6280;
	s23 =	simm.s32 $0x2;
	s24 =	simm.s32 $0x4  }
0x5: {  	s25 =	simm.s32 $0x280;
	s26 =	simm.s32 $0x4280;
	s28 =	simm.s32 $0x3  }
0x6: {  	s29 =	simm.s32 $0x5;
	s30 =	simm.s32 $0x180;
	s31 =	simm.s32 $0x6  }
0x7: {  	[smem:$0x7FF] =	sst s3;
	s2 =	sand.u32 $0x1, s2;
	s4 =	sshll.u32 s4, $0x1  }
0x8: {  	s14 =	sadd.s32 $0x1200, s0;
	s15 =	sadd.s32 $0x29200, s0;
	s4 =	sor.u32 s2, s4  }
0x9: {  	_ =	strace $0x80000047;
	s2 =	ssub.s32 $0x2, s2;
	s7 =	smul.u32 $0xA000, s4  }
0xa: {  	s5 =	sshll.u32 s4, $0x5;
	s6 =	sshrl.u32 s2, $0x1;
	s4 =	sadd.s32 $0x2, s1  }
0xb: {  	s0 =	sadd.s32 s5, s0;
	s2 =	ssub.s32 s2, s6;
	s16 =	sshrl.u32 s7, $0x3  }
0xc: {  	s5 =	sadd.s32 $0x4, s1;
	s17 =	smax.u32 s2, $0x1;
	s6 =	sadd.s32 s14, s16  }
0xd: {  	s7 =	sadd.s32 s15, s16;
	s9 =	sadd.s32 $0x400, s16;
	s11 =	sadd.s32 $0x800, s16  }
0xe: {  	s13 =	sadd.s32 $0xC00, s16;
	s16 =	sadd.s32 $0x1000, s16;
	s8 =	sadd.s32 s14, s9  }
0xf: {  	s9 =	sadd.s32 s15, s9;
	s10 =	sadd.s32 s14, s11;
	s11 =	sadd.s32 s15, s11  }
0x10: {  	s12 =	sadd.s32 s14, s13;
	s13 =	sadd.s32 s15, s13;
	s14 =	sadd.s32 s14, s16  }
0x11: {  	v0 =	vimm.s32 $0x0;
	s15 =	sadd.s32 s15, s16;
	s16 =	sadd.s32 $0x51200, s0;
	s0 =	simm.s32 $0x0  }
.LBB2_1:
0x12: {  	[tilespmem:s3], [sflag:$0x1] =	stream.linear.gather [hbm4b:s1+s3], $0x10, $0x38;
	[tilespmem:$0x8280] =	vst v63  }
0x13: {  	_ =	swait.ge [sflag:s18], $0x10  }
0x14: {  	[sflag:s18] =	ssyncset.done $0x0  }
0x15: {  	s2 =	simm.s32 $0x80;
	[sflag:s18] =	ssyncadd.s32 $0xFFFFFFF0  }
0x16: {  	[tilespmem:s2], [sflag:$0x1] =	stream.linear.gather [hbm4b:s4+s3], $0x10, $0x38;
	[tilespmem:$0x8280] =	vst v63  }
0x17: {  	_ =	swait.ge [sflag:s18], $0x10  }
0x18: {  	[sflag:s18] =	ssyncset.done $0x0  }
0x19: {  	s20 =	simm.s32 $0x100;
	[sflag:s18] =	ssyncadd.s32 $0xFFFFFFF0  }
0x1a: {  	[tilespmem:s20], [sflag:$0x1] =	stream.linear.gather [hbm4b:s5+s3], $0x10, $0x38;
	[tilespmem:$0x8280] =	vst v63  }
0x1b: {  	_ =	swait.ge [sflag:s18], $0x10  }
0x1c: {  	[sflag:s18] =	ssyncset.done $0x0  }
0x1d: {  	[sflag:s18] =	ssyncadd.s32 $0xFFFFFFF0  }
0x1e: {  	v3 =	vld [tilespmem:$0x0]  }
0x1f: {  	v2 =	vld [tilespmem:$0x80]  }
0x20: {  	v1 =	vld [tilespmem:$0x100];
	[tilespmem:s25], [sflag:$0x2] =	stream.linear.gather [hbm4b:s6+s3], $0x2000, $0x38  }
0x21: {  	_ = 	snop  }
0x22: {  	[tilespmem:s26], [sflag:$0x4] =	stream.linear.gather [hbm4b:s7+s3], $0x2000, $0x38;
	[tilespmem:$0x8280] =	vst v63  }
0x23: {  	_ = 	snop  }
0x24: {  	[tilespmem:s21], [sflag:$0x3] =	stream.linear.gather [hbm4b:s8+s3], $0x2000, $0x38;
	[tilespmem:$0x8280] =	vst v63  }
0x25: {  	_ = 	snop  }
0x26: {  	[tilespmem:s22], [sflag:$0x5] =	stream.linear.gather [hbm4b:s9+s3], $0x2000, $0x38;
	[tilespmem:$0x8280] =	vst v63  }
0x27: {  	_ =	swait.ge [sflag:s23], $0x2000  }
0x28: {  	[sflag:s23] =	ssyncset.done $0x0  }
0x29: {  	[sflag:s23] =	ssyncadd.s32 $0xFFFFE000  }
0x2a: {  	_ =	swait.ge [sflag:s24], $0x2000  }
0x2b: {  	[sflag:s24] =	ssyncset.done $0x0  }
0x2c: {  	[sflag:s24] =	ssyncadd.s32 $0xFFFFE000  }
0x2d: {  	v7 =	vld [tilespmem:s26+$0x0];
	_ =	sdelay $0x4  }
0x2e: {  	s19 =	simm.s32 $0x4290;
	v4 =	vmul.f32 $9.000000000e+00, v7  }
0x2f: {  	v5 =	vld [tilespmem:s19+$0x0]  }
0x30: {  	v4 =	vadd.f32 $5.000000000e-01, v4;
	_ =	sdelay $0x1  }
0x31: {  	v4 =	vtrunc.f32 v4  }
0x32: {  	v9 =	vcvt.f32.s32 v4  }
0x33: {  	v4 =	vmul.f32 $9.000000000e+00, v5  }
0x34: {  	v10 =	vld [tilespmem:s25+$0x0];
	v8 =	vand.u32 $0xF, v9  }
0x35: {  	s20 =	simm.s32 $0x42A0;
	v11 =	vadd.f32 $5.000000000e-01, v4;
	v12 =	vperm.xlane v3, v8  }
0x36: {  	v6 =	vld [tilespmem:s20+$0x0];
	v8 =	vperm.xlane v2, v8  }
0x37: {  	v11 =	vtrunc.f32 v11;
	vm0 =	vlt.f32 v7, v12  }
0x38: {  	vm15 =	vge.f32 v7, v8;
	v8 =	vcvt.f32.s32 v11;
	v12 =	vsel vm0, $0xFFFFFFFF, v0  }
0x39: {  	s2 =	simm.s32 $0x290;
	v7 =	vsub.f32 v7, v10;
	v10 =	vsel vm15, $0x1, v0;
	v9 =	vadd.s32 v9, v12  }
0x3a: {  	v10 =	vadd.s32 v10, v9;
	v9 =	vld [tilespmem:s2+$0x0]  }
0x3b: {  	v13 =	vmul.f32 $9.000000000e+00, v6;
	v4 =	vimm.f32 $0.0e+00;
	v12 =	vand.u32 $0xF, v8  }
0x3c: {  	s19 =	simm.s32 $0x20;
	s20 =	simm.s32 $0x42B0;
	v11 =	vmul.f32 v7, v7;
	v7 =	vimm.f32 $0.0e+00;
	v10 =	vperm.xlane v1, v10  }
.LBB2_2:
0x3d: {  	v14 =	vld [tilespmem:s20+$0x0];
	v13 =	vadd.f32 $5.000000000e-01, v13;
	v15 =	vperm.xlane v3, v12;
	s19 =	sadd.s32 $0x10, s19  }
0x3e: {  	v12 =	vperm.xlane v2, v12;
	v4 =	vadd.f32 v10, v4;
	v10 =	vmul.f32 v10, v11;
	p0 =	slt.u32 s19, $0x1FF0  }
.Ltmp0:
0x3f: {  	v11 =	vtrunc.f32 v13;
	vm0 =	vlt.f32 v5, v15;
	v15 =	vsub.f32 v5, v9;
	(pc) =	sbr.rel @p0 .LBB2_2-.Ltmp0, $4  }
0x40: {  	s2 =	sadd.s32 $0x10, s2;
	v13 =	vsel vm0, $0xFFFFFFFF, v0;
	vm0 =	vge.f32 v5, v12;
	v7 =	vadd.f32 v10, v7;
	v5 =	vmovc v6  }
0x41: {  	v9 =	vld [tilespmem:s2+$0x0];
	v12 =	vadd.s32 v8, v13;
	v8 =	vcvt.f32.s32 v11;
	v10 =	vsel vm0, $0x1, v0  }
0x42: {  	v13 =	vmul.f32 $9.000000000e+00, v14;
	v10 =	vadd.s32 v10, v12;
	v6 =	vmov v14  }
0x43: {  	s20 =	sadd.s32 $0x10, s20;
	v11 =	vmul.f32 v15, v15;
	v12 =	vand.u32 $0xF, v8;
	v10 =	vperm.xlane v1, v10  }
0x44: {  	s2 =	sadd.s32 $0x10, s2  }
0x45: {  	v14 =	vld [tilespmem:s2+$0x0];
	[tilespmem:s25], [sflag:$0x2] =	stream.linear.gather [hbm4b:s10+s3], $0x2000, $0x38  }
0x46: {  	_ = 	snop  }
0x47: {  	[tilespmem:s26], [sflag:$0x4] =	stream.linear.gather [hbm4b:s11+s3], $0x2000, $0x38;
	[tilespmem:$0x8280] =	vst v63  }
0x48: {  	_ =	swait.ge [sflag:s28], $0x2000  }
0x49: {  	[sflag:s28] =	ssyncset.done $0x0  }
0x4a: {  	[sflag:s28] =	ssyncadd.s32 $0xFFFFE000  }
0x4b: {  	v13 =	vadd.f32 $5.000000000e-01, v13;
	_ =	swait.ge [sflag:s29], $0x2000  }
0x4c: {  	[sflag:s29] =	ssyncset.done $0x0  }
0x4d: {  	s19 =	simm.s32 $0x6280;
	v13 =	vtrunc.f32 v13;
	[sflag:s29] =	ssyncadd.s32 $0xFFFFE000  }
0x4e: {  	v15 =	vperm.xlane v3, v12;
	v13 =	vcvt.f32.s32 v13;
	v16 =	vld [tilespmem:s19+$0x0]  }
0x4f: {  	v12 =	vperm.xlane v2, v12  }
0x50: {  	vm0 =	vlt.f32 v5, v15;
	v15 =	vand.u32 $0xF, v13  }
0x51: {  	vm11 =	vge.f32 v5, v12;
	v17 =	vsel vm0, $0xFFFFFFFF, v0;
	v12 =	vperm.xlane v3, v15  }
0x52: {  	v11 =	vmul.f32 v10, v11;
	v8 =	vadd.s32 v8, v17;
	v17 =	vsel vm11, $0x1, v0  }
0x53: {  	v15 =	vperm.xlane v2, v15;
	vm12 =	vlt.f32 v6, v12;
	v12 =	vmul.f32 $9.000000000e+00, v16  }
0x54: {  	s20 =	simm.s32 $0x6290;
	v4 =	vadd.f32 v10, v4;
	v5 =	vsub.f32 v5, v9;
	v8 =	vadd.s32 v17, v8  }
0x55: {  	v14 =	vsub.f32 v6, v14;
	vm13 =	vge.f32 v6, v15;
	v6 =	vld [tilespmem:s20+$0x0];
	v12 =	vadd.f32 $5.000000000e-01, v12  }
0x56: {  	v5 =	vmul.f32 v5, v5;
	v8 =	vperm.xlane v1, v8;
	v9 =	vsel vm12, $0xFFFFFFFF, v0  }
0x57: {  	v9 =	vadd.s32 v13, v9;
	v13 =	vsel vm13, $0x1, v0;
	v10 =	vtrunc.f32 v12  }
0x58: {  	v5 =	vmul.f32 v8, v5;
	v9 =	vadd.s32 v13, v9;
	v12 =	vcvt.f32.s32 v10  }
0x59: {  	v7 =	vadd.f32 v11, v7;
	v11 =	vmul.f32 v14, v14;
	v9 =	vperm.xlane v1, v9  }
0x5a: {  	v4 =	vadd.f32 v8, v4;
	s19 =	simm.s32 $0x2280;
	v10 =	vmul.f32 $9.000000000e+00, v6;
	v14 =	vand.u32 $0xF, v12  }
0x5b: {  	v7 =	vadd.f32 v5, v7;
	s20 =	simm.s32 $0x62A0;
	v13 =	vld [tilespmem:s19+$0x0];
	v11 =	vmul.f32 v9, v11;
	v15 =	vperm.xlane v3, v14  }
0x5c: {  	v8 =	vld [tilespmem:s20+$0x0];
	v5 =	vadd.f32 v9, v4;
	v10 =	vadd.f32 $5.000000000e-01, v10;
	v9 =	vperm.xlane v2, v14  }
0x5d: {  	v4 =	vadd.f32 v11, v7;
	vm14 =	vlt.f32 v16, v15  }
0x5e: {  	v10 =	vtrunc.f32 v10;
	vm15 =	vge.f32 v16, v9;
	v11 =	vsel vm14, $0xFFFFFFFF, v0  }
0x5f: {  	s2 =	simm.s32 $0x2290;
	v10 =	vcvt.f32.s32 v10;
	v11 =	vadd.s32 v12, v11;
	v12 =	vsel vm15, $0x1, v0  }
0x60: {  	v9 =	vsub.f32 v16, v13;
	v12 =	vadd.s32 v12, v11;
	v11 =	vld [tilespmem:s2+$0x0]  }
0x61: {  	v7 =	vimm.f32 $0.0e+00;
	v15 =	vmul.f32 $9.000000000e+00, v8;
	v14 =	vand.u32 $0xF, v10  }
0x62: {  	s19 =	simm.s32 $0x20;
	s20 =	simm.s32 $0x62B0;
	v13 =	vmul.f32 v9, v9;
	v9 =	vimm.f32 $0.0e+00;
	v12 =	vperm.xlane v1, v12  }
.LBB2_4:
0x63: {  	v16 =	vld [tilespmem:s20+$0x0];
	v15 =	vadd.f32 $5.000000000e-01, v15;
	v17 =	vperm.xlane v3, v14;
	s19 =	sadd.s32 $0x10, s19  }
0x64: {  	v14 =	vperm.xlane v2, v14;
	v7 =	vadd.f32 v12, v7;
	v12 =	vmul.f32 v12, v13;
	p0 =	slt.u32 s19, $0x1FF0  }
.Ltmp1:
0x65: {  	v13 =	vtrunc.f32 v15;
	vm0 =	vlt.f32 v6, v17;
	v17 =	vsub.f32 v6, v11;
	(pc) =	sbr.rel @p0 .LBB2_4-.Ltmp1, $4  }
0x66: {  	s2 =	sadd.s32 $0x10, s2;
	v15 =	vsel vm0, $0xFFFFFFFF, v0;
	vm0 =	vge.f32 v6, v14;
	v9 =	vadd.f32 v12, v9;
	v6 =	vmovc v8  }
0x67: {  	v11 =	vld [tilespmem:s2+$0x0];
	v14 =	vadd.s32 v10, v15;
	v10 =	vcvt.f32.s32 v13;
	v12 =	vsel vm0, $0x1, v0  }
0x68: {  	v15 =	vmul.f32 $9.000000000e+00, v16;
	v12 =	vadd.s32 v12, v14;
	v8 =	vmov v16  }
0x69: {  	s20 =	sadd.s32 $0x10, s20;
	v13 =	vmul.f32 v17, v17;
	v14 =	vand.u32 $0xF, v10;
	v12 =	vperm.xlane v1, v12  }
0x6a: {  	s2 =	sadd.s32 $0x10, s2  }
0x6b: {  	v16 =	vld [tilespmem:s2+$0x0];
	[tilespmem:s21], [sflag:$0x3] =	stream.linear.gather [hbm4b:s12+s3], $0x2000, $0x38  }
0x6c: {  	_ = 	snop  }
0x6d: {  	[tilespmem:s22], [sflag:$0x5] =	stream.linear.gather [hbm4b:s13+s3], $0x2000, $0x38;
	[tilespmem:$0x8280] =	vst v63  }
0x6e: {  	_ =	swait.ge [sflag:s23], $0x2000  }
0x6f: {  	[sflag:s23] =	ssyncset.done $0x0  }
0x70: {  	[sflag:s23] =	ssyncadd.s32 $0xFFFFE000  }
0x71: {  	v15 =	vadd.f32 $5.000000000e-01, v15;
	_ =	swait.ge [sflag:s24], $0x2000  }
0x72: {  	v17 =	vperm.xlane v3, v14;
	[sflag:s24] =	ssyncset.done $0x0  }
0x73: {  	s19 =	simm.s32 $0x4280;
	v14 =	vperm.xlane v2, v14;
	v15 =	vtrunc.f32 v15;
	[sflag:s24] =	ssyncadd.s32 $0xFFFFE000  }
0x74: {  	v15 =	vcvt.f32.s32 v15;
	v18 =	vld [tilespmem:s19+$0x0]  }
0x75: {  	v13 =	vmul.f32 v12, v13;
	vm0 =	vlt.f32 v6, v17;
	vm11 =	vge.f32 v6, v14  }
0x76: {  	v6 =	vsub.f32 v6, v11;
	v19 =	vsel vm0, $0xFFFFFFFF, v0;
	v17 =	vand.u32 $0xF, v15  }
0x77: {  	v7 =	vadd.f32 v12, v7;
	v10 =	vadd.s32 v10, v19;
	v14 =	vperm.xlane v3, v17  }
0x78: {  	v19 =	vsel vm11, $0x1, v0;
	v6 =	vmul.f32 v6, v6;
	v17 =	vperm.xlane v2, v17  }
0x79: {  	s20 =	simm.s32 $0x4290;
	v10 =	vadd.s32 v19, v10;
	vm12 =	vlt.f32 v8, v14;
	v14 =	vmul.f32 $9.000000000e+00, v18  }
0x7a: {  	v10 =	vperm.xlane v1, v10;
	v16 =	vsub.f32 v8, v16;
	vm13 =	vge.f32 v8, v17;
	v8 =	vld [tilespmem:s20+$0x0]  }
0x7b: {  	v9 =	vadd.f32 v13, v9;
	v11 =	vsel vm12, $0xFFFFFFFF, v0;
	v14 =	vadd.f32 $5.000000000e-01, v14  }
0x7c: {  	v6 =	vmul.f32 v10, v6;
	v11 =	vadd.s32 v15, v11;
	v15 =	vsel vm13, $0x1, v0  }
0x7d: {  	v13 =	vmul.f32 v16, v16;
	v11 =	vadd.s32 v15, v11;
	v12 =	vtrunc.f32 v14  }
0x7e: {  	v11 =	vperm.xlane v1, v11;
	v14 =	vcvt.f32.s32 v12  }
0x7f: {  	v7 =	vadd.f32 v10, v7;
	s19 =	simm.s32 $0x280;
	v12 =	vmul.f32 $9.000000000e+00, v8  }
0x80: {  	v6 =	vadd.f32 v6, v9;
	v9 =	vmul.f32 v11, v13;
	v13 =	vld [tilespmem:s19+$0x0];
	v15 =	vand.u32 $0xF, v14  }
0x81: {  	s20 =	simm.s32 $0x42A0;
	v12 =	vadd.f32 $5.000000000e-01, v12;
	v16 =	vperm.xlane v3, v15  }
0x82: {  	v10 =	vld [tilespmem:s20+$0x0];
	v7 =	vadd.f32 v11, v7;
	v11 =	vperm.xlane v2, v15  }
0x83: {  	v12 =	vtrunc.f32 v12;
	vm14 =	vlt.f32 v18, v16  }
0x84: {  	vm15 =	vge.f32 v18, v11;
	v12 =	vcvt.f32.s32 v12;
	v15 =	vsel vm14, $0xFFFFFFFF, v0  }
0x85: {  	s2 =	simm.s32 $0x290;
	v11 =	vsub.f32 v18, v13;
	v13 =	vadd.s32 v14, v15;
	v14 =	vsel vm15, $0x1, v0  }
0x86: {  	v6 =	vadd.f32 v9, v6;
	v14 =	vadd.s32 v14, v13;
	v13 =	vld [tilespmem:s2+$0x0]  }
0x87: {  	v9 =	vimm.f32 $0.0e+00;
	v17 =	vmul.f32 $9.000000000e+00, v10;
	v16 =	vand.u32 $0xF, v12  }
0x88: {  	s20 =	simm.s32 $0x42B0;
	s19 =	simm.s32 $0x20;
	v15 =	vmul.f32 v11, v11;
	v11 =	vimm.f32 $0.0e+00;
	v14 =	vperm.xlane v1, v14  }
.LBB2_6:
0x89: {  	v18 =	vld [tilespmem:s20+$0x0];
	v17 =	vadd.f32 $5.000000000e-01, v17;
	v19 =	vperm.xlane v3, v16;
	s19 =	sadd.s32 $0x10, s19  }
0x8a: {  	v16 =	vperm.xlane v2, v16;
	v9 =	vadd.f32 v14, v9;
	v14 =	vmul.f32 v14, v15;
	p0 =	slt.u32 s19, $0x1FF0  }
.Ltmp2:
0x8b: {  	v15 =	vtrunc.f32 v17;
	vm0 =	vlt.f32 v8, v19;
	v19 =	vsub.f32 v8, v13;
	(pc) =	sbr.rel @p0 .LBB2_6-.Ltmp2, $4  }
0x8c: {  	s2 =	sadd.s32 $0x10, s2;
	v17 =	vsel vm0, $0xFFFFFFFF, v0;
	vm0 =	vge.f32 v8, v16;
	v11 =	vadd.f32 v14, v11;
	v8 =	vmovc v10  }
0x8d: {  	v13 =	vld [tilespmem:s2+$0x0];
	v16 =	vadd.s32 v12, v17;
	v12 =	vcvt.f32.s32 v15;
	v14 =	vsel vm0, $0x1, v0  }
0x8e: {  	v17 =	vmul.f32 $9.000000000e+00, v18;
	v14 =	vadd.s32 v14, v16;
	v10 =	vmov v18  }
0x8f: {  	s20 =	sadd.s32 $0x10, s20;
	v15 =	vmul.f32 v19, v19;
	v16 =	vand.u32 $0xF, v12;
	v14 =	vperm.xlane v1, v14  }
0x90: {  	s2 =	sadd.s32 $0x10, s2  }
0x91: {  	v18 =	vld [tilespmem:s2+$0x0];
	[tilespmem:s25], [sflag:$0x2] =	stream.linear.gather [hbm4b:s14+s3], $0x2000, $0x38  }
0x92: {  	_ = 	snop  }
0x93: {  	[tilespmem:s26], [sflag:$0x4] =	stream.linear.gather [hbm4b:s15+s3], $0x2000, $0x38;
	[tilespmem:$0x8280] =	vst v63  }
0x94: {  	_ =	swait.ge [sflag:s28], $0x2000  }
0x95: {  	[sflag:s28] =	ssyncset.done $0x0  }
0x96: {  	[sflag:s28] =	ssyncadd.s32 $0xFFFFE000  }
0x97: {  	v17 =	vadd.f32 $5.000000000e-01, v17;
	_ =	swait.ge [sflag:s29], $0x2000  }
0x98: {  	[sflag:s29] =	ssyncset.done $0x0  }
0x99: {  	v19 =	vperm.xlane v3, v16;
	s19 =	simm.s32 $0x6280;
	v17 =	vtrunc.f32 v17;
	[sflag:s29] =	ssyncadd.s32 $0xFFFFE000  }
0x9a: {  	v16 =	vperm.xlane v2, v16;
	v17 =	vcvt.f32.s32 v17;
	v20 =	vld [tilespmem:s19+$0x0]  }
0x9b: {  	v15 =	vmul.f32 v14, v15;
	v9 =	vadd.f32 v14, v9;
	vm0 =	vlt.f32 v8, v19  }
0x9c: {  	vm11 =	vge.f32 v8, v16;
	v8 =	vsub.f32 v8, v13;
	v19 =	vand.u32 $0xF, v17  }
0x9d: {  	v21 =	vsel vm0, $0xFFFFFFFF, v0;
	v63 =	vsel vm11, $0x1, v0;
	v16 =	vperm.xlane v3, v19  }
0x9e: {  	v12 =	vadd.s32 v12, v21;
	v8 =	vmul.f32 v8, v8;
	v19 =	vperm.xlane v2, v19  }
0x9f: {  	s20 =	simm.s32 $0x6290;
	v12 =	vadd.s32 v63, v12;
	vm12 =	vlt.f32 v10, v16;
	v16 =	vmul.f32 $9.000000000e+00, v20  }
0xa0: {  	v12 =	vperm.xlane v1, v12;
	v18 =	vsub.f32 v10, v18;
	vm13 =	vge.f32 v10, v19;
	v10 =	vld [tilespmem:s20+$0x0]  }
0xa1: {  	v11 =	vadd.f32 v15, v11;
	v13 =	vsel vm12, $0xFFFFFFFF, v0;
	v16 =	vadd.f32 $5.000000000e-01, v16  }
0xa2: {  	v8 =	vmul.f32 v12, v8;
	v13 =	vadd.s32 v17, v13;
	v17 =	vsel vm13, $0x1, v0  }
0xa3: {  	v15 =	vmul.f32 v18, v18;
	v13 =	vadd.s32 v17, v13;
	v14 =	vtrunc.f32 v16  }
0xa4: {  	v13 =	vperm.xlane v1, v13;
	v16 =	vcvt.f32.s32 v14  }
0xa5: {  	v9 =	vadd.f32 v12, v9;
	s19 =	simm.s32 $0x2280;
	v14 =	vmul.f32 $9.000000000e+00, v10  }
0xa6: {  	v8 =	vadd.f32 v8, v11;
	v11 =	vmul.f32 v13, v15;
	v15 =	vld [tilespmem:s19+$0x0];
	v17 =	vand.u32 $0xF, v16  }
0xa7: {  	s20 =	simm.s32 $0x62A0;
	v14 =	vadd.f32 $5.000000000e-01, v14;
	v18 =	vperm.xlane v3, v17  }
0xa8: {  	v12 =	vld [tilespmem:s20+$0x0];
	v9 =	vadd.f32 v13, v9;
	v13 =	vperm.xlane v2, v17  }
0xa9: {  	v14 =	vtrunc.f32 v14;
	vm14 =	vlt.f32 v20, v18  }
0xaa: {  	vm15 =	vge.f32 v20, v13;
	v14 =	vcvt.f32.s32 v14;
	v17 =	vsel vm14, $0xFFFFFFFF, v0  }
0xab: {  	s2 =	simm.s32 $0x2290;
	v13 =	vsub.f32 v20, v15;
	v15 =	vadd.s32 v16, v17;
	v16 =	vsel vm15, $0x1, v0  }
0xac: {  	v8 =	vadd.f32 v11, v8;
	v16 =	vadd.s32 v16, v15;
	v15 =	vld [tilespmem:s2+$0x0]  }
0xad: {  	v11 =	vimm.f32 $0.0e+00;
	v19 =	vmul.f32 $9.000000000e+00, v12;
	v18 =	vand.u32 $0xF, v14  }
0xae: {  	s20 =	simm.s32 $0x62B0;
	s19 =	simm.s32 $0x20;
	v17 =	vmul.f32 v13, v13;
	v13 =	vimm.f32 $0.0e+00;
	v16 =	vperm.xlane v1, v16  }
.LBB2_8:
0xaf: {  	v20 =	vld [tilespmem:s20+$0x0];
	v19 =	vadd.f32 $5.000000000e-01, v19;
	v21 =	vperm.xlane v3, v18;
	s19 =	sadd.s32 $0x10, s19  }
0xb0: {  	v18 =	vperm.xlane v2, v18;
	v11 =	vadd.f32 v16, v11;
	v16 =	vmul.f32 v16, v17;
	p0 =	slt.u32 s19, $0x1FF0  }
.Ltmp3:
0xb1: {  	v17 =	vtrunc.f32 v19;
	vm0 =	vlt.f32 v10, v21;
	v21 =	vsub.f32 v10, v15;
	(pc) =	sbr.rel @p0 .LBB2_8-.Ltmp3, $4  }
0xb2: {  	s2 =	sadd.s32 $0x10, s2;
	v19 =	vsel vm0, $0xFFFFFFFF, v0;
	vm0 =	vge.f32 v10, v18;
	v13 =	vadd.f32 v16, v13;
	v10 =	vmovc v12  }
0xb3: {  	v15 =	vld [tilespmem:s2+$0x0];
	v18 =	vadd.s32 v14, v19;
	v14 =	vcvt.f32.s32 v17;
	v16 =	vsel vm0, $0x1, v0  }
0xb4: {  	v19 =	vmul.f32 $9.000000000e+00, v20;
	v16 =	vadd.s32 v16, v18;
	v12 =	vmov v20  }
0xb5: {  	s20 =	sadd.s32 $0x10, s20;
	v17 =	vmul.f32 v21, v21;
	v18 =	vand.u32 $0xF, v14;
	v16 =	vperm.xlane v1, v16  }
0xb6: {  	s2 =	sadd.s32 $0x10, s2  }
0xb7: {  	v20 =	vld [tilespmem:s2+$0x0];
	_ =	swait.ge [sflag:s23], $0x2000  }
0xb8: {  	[sflag:s23] =	ssyncset.done $0x0  }
0xb9: {  	[sflag:s23] =	ssyncadd.s32 $0xFFFFE000  }
0xba: {  	v19 =	vadd.f32 $5.000000000e-01, v19;
	_ =	swait.ge [sflag:s24], $0x2000  }
0xbb: {  	[sflag:s24] =	ssyncset.done $0x0  }
0xbc: {  	v21 =	vperm.xlane v3, v18;
	s19 =	simm.s32 $0x4280;
	v19 =	vtrunc.f32 v19;
	[sflag:s24] =	ssyncadd.s32 $0xFFFFE000  }
0xbd: {  	v18 =	vperm.xlane v2, v18;
	v19 =	vcvt.f32.s32 v19;
	v22 =	vld [tilespmem:s19+$0x0]  }
0xbe: {  	v17 =	vmul.f32 v16, v17;
	v11 =	vadd.f32 v16, v11;
	vm0 =	vlt.f32 v10, v21  }
0xbf: {  	vm11 =	vge.f32 v10, v18;
	v23 =	vsel vm0, $0xFFFFFFFF, v0;
	v21 =	vand.u32 $0xF, v19  }
0xc0: {  	v14 =	vadd.s32 v14, v23;
	v23 =	vsel vm11, $0x1, v0;
	v18 =	vperm.xlane v3, v21  }
0xc1: {  	v10 =	vsub.f32 v10, v15;
	v13 =	vadd.f32 v17, v13;
	v14 =	vadd.s32 v23, v14  }
0xc2: {  	v21 =	vperm.xlane v2, v21;
	vm12 =	vlt.f32 v12, v18;
	v18 =	vmul.f32 $9.000000000e+00, v22  }
0xc3: {  	s20 =	simm.s32 $0x4290;
	v10 =	vmul.f32 v10, v10;
	v14 =	vperm.xlane v1, v14;
	v20 =	vsub.f32 v12, v20  }
0xc4: {  	vm13 =	vge.f32 v12, v21;
	v12 =	vld [tilespmem:s20+$0x0];
	v15 =	vsel vm12, $0xFFFFFFFF, v0;
	v18 =	vadd.f32 $5.000000000e-01, v18  }
0xc5: {  	v10 =	vmul.f32 v14, v10;
	v15 =	vadd.s32 v19, v15;
	v19 =	vsel vm13, $0x1, v0  }
0xc6: {  	v17 =	vmul.f32 v20, v20;
	v15 =	vadd.s32 v19, v15;
	v16 =	vtrunc.f32 v18  }
0xc7: {  	v15 =	vperm.xlane v1, v15;
	v16 =	vcvt.f32.s32 v16  }
0xc8: {  	v11 =	vadd.f32 v14, v11;
	v10 =	vadd.f32 v10, v13  }
0xc9: {  	s19 =	simm.s32 $0x280;
	v14 =	vmul.f32 $9.000000000e+00, v12;
	v17 =	vmul.f32 v15, v17;
	v19 =	vand.u32 $0xF, v16  }
0xca: {  	s20 =	simm.s32 $0x42A0;
	v18 =	vld [tilespmem:s19+$0x0];
	v20 =	vperm.xlane v3, v19  }
0xcb: {  	v13 =	vld [tilespmem:s20+$0x0];
	v14 =	vadd.f32 $5.000000000e-01, v14;
	v10 =	vadd.f32 v17, v10;
	v17 =	vperm.xlane v2, v19  }
0xcc: {  	vm14 =	vlt.f32 v22, v20  }
0xcd: {  	v14 =	vtrunc.f32 v14;
	vm15 =	vge.f32 v22, v17;
	v19 =	vsel vm14, $0xFFFFFFFF, v0  }
0xce: {  	s2 =	simm.s32 $0x290;
	v14 =	vcvt.f32.s32 v14;
	v17 =	vsel vm15, $0x1, v0;
	v16 =	vadd.s32 v16, v19  }
0xcf: {  	v11 =	vadd.f32 v15, v11;
	v22 =	vsub.f32 v22, v18;
	v16 =	vadd.s32 v17, v16;
	v17 =	vld [tilespmem:s2+$0x0]  }
0xd0: {  	v15 =	vimm.f32 $0.0e+00;
	v21 =	vand.u32 $0xF, v14;
	v20 =	vmul.f32 $9.000000000e+00, v13  }
0xd1: {  	s20 =	simm.s32 $0x42B0;
	s19 =	simm.s32 $0x20;
	v19 =	vmul.f32 v22, v22;
	v18 =	vperm.xlane v1, v16;
	v16 =	vimm.f32 $0.0e+00  }
.LBB2_10:
0xd2: {  	v22 =	vld [tilespmem:s20+$0x0];
	v20 =	vadd.f32 $5.000000000e-01, v20;
	v23 =	vperm.xlane v3, v21;
	s19 =	sadd.s32 $0x10, s19  }
0xd3: {  	v21 =	vperm.xlane v2, v21;
	v15 =	vadd.f32 v18, v15;
	v18 =	vmul.f32 v18, v19;
	p0 =	slt.u32 s19, $0x1FF0  }
.Ltmp4:
0xd4: {  	v19 =	vtrunc.f32 v20;
	vm0 =	vlt.f32 v12, v23;
	v23 =	vsub.f32 v12, v17;
	(pc) =	sbr.rel @p0 .LBB2_10-.Ltmp4, $4  }
0xd5: {  	s2 =	sadd.s32 $0x10, s2;
	v20 =	vsel vm0, $0xFFFFFFFF, v0;
	vm0 =	vge.f32 v12, v21;
	v16 =	vadd.f32 v18, v16;
	v12 =	vmovc v13  }
0xd6: {  	v17 =	vld [tilespmem:s2+$0x0];
	v21 =	vadd.s32 v14, v20;
	v14 =	vcvt.f32.s32 v19;
	v18 =	vsel vm0, $0x1, v0  }
0xd7: {  	v20 =	vmul.f32 $9.000000000e+00, v22;
	v18 =	vadd.s32 v18, v21;
	v13 =	vmov v22  }
0xd8: {  	s20 =	sadd.s32 $0x10, s20;
	v19 =	vmul.f32 v23, v23;
	v21 =	vand.u32 $0xF, v14;
	v18 =	vperm.xlane v1, v18  }
0xd9: {  	v20 =	vadd.f32 $5.000000000e-01, v20  }
0xda: {  	v22 =	vperm.xlane v3, v21  }
0xdb: {  	v53 =	vperm.xlane v2, v21;
	v20 =	vtrunc.f32 v20  }
0xdc: {  	v4 =	vadd.f32 $0.0e+00, v4;
	v15 =	vadd.f32 v18, v15;
	v20 =	vcvt.f32.s32 v20  }
0xdd: {  	s2 =	sadd.s32 $0x10, s2;
	v55 =	vmul.f32 v18, v19;
	vm0 =	vlt.f32 v12, v22;
	vm13 =	vge.f32 v12, v53  }
0xde: {  	v54 =	vld [tilespmem:s2+$0x0];
	v59 =	vsub.f32 v12, v17;
	v56 =	vsel vm0, $0xFFFFFFFF, v0;
	v58 =	vand.u32 $0xF, v20  }
0xdf: {  	v57 =	vsel vm13, $0x1, v0;
	v14 =	vadd.s32 v14, v56;
	v3 =	vperm.xlane v3, v58  }
0xe0: {  	v4 =	vadd.f32 v6, v4;
	v14 =	vadd.s32 v57, v14;
	v2 =	vperm.xlane v2, v58  }
0xe1: {  	v12 =	vmul.f32 v59, v59;
	v14 =	vperm.xlane v1, v14;
	vm14 =	vlt.f32 v13, v3  }
0xe2: {  	vm15 =	vge.f32 v13, v2;
	v2 =	vadd.f32 $0.0e+00, v5;
	v60 =	vsel vm14, $0xFFFFFFFF, v0  }
0xe3: {  	v3 =	vsub.f32 v13, v54;
	v13 =	vsel vm15, $0x1, v0;
	v61 =	vadd.s32 v20, v60  }
0xe4: {  	v12 =	vmul.f32 v14, v12;
	v2 =	vadd.f32 v7, v2;
	v5 =	vadd.s32 v13, v61  }
0xe5: {  	v16 =	vadd.f32 v55, v16;
	v3 =	vmul.f32 v3, v3;
	v1 =	vperm.xlane v1, v5  }
0xe6: {  	v62 =	vadd.f32 v14, v15;
	v2 =	vadd.f32 v9, v2  }
0xe7: {  	v4 =	vadd.f32 v8, v4;
	v63 =	vadd.f32 v12, v16;
	v3 =	vmul.f32 v1, v3  }
0xe8: {  	v1 =	vadd.f32 v1, v62;
	v2 =	vadd.f32 v11, v2  }
0xe9: {  	v4 =	vadd.f32 v10, v4;
	v3 =	vadd.f32 v3, v63  }
0xea: {  	v1 =	vadd.f32 v1, v2  }
0xeb: {  	s0 =	sadd.s32 $0x1, s0;
	v2 =	vadd.f32 v3, v4  }
0xec: {  	p0 =	sne.s32 s0, s17;
	[tilespmem:$0x180] =	vst v1  }
.Ltmp5:
0xed: {  	[tilespmem:$0x200] =	vst v2;
	(pc) =	sbr.rel @p0 .LBB2_1-.Ltmp5, $4  }
0xee: {  	[hbm4b:s16+s3] =	stream.linear.scatter [tilespmem:s30], [sflag:$0x6], $0x100, $0x38;
	[tilespmem:$0x8280] =	vst v63  }
0xef: {  	_ =	swait.ge [sflag:s31], $0x100  }
0xf0: {  	[sflag:s31] =	ssyncset.done $0x0  }
0xf1: {  	[sflag:s31] =	ssyncadd.s32 $0xFFFFFF00  }
0xf2: {  	_ =	sfence.sel $0x180000  }
0xf3: {  	[bflag:$0x0] =	sbarrier.arrive $0xFFFF  }
0xf4: {  	_ =	strace $0x90000047  }
0xf5: {  	s0 =	stileid.u32;
	[bflag:$0x2] =	sbarrier.arrive $0xFFFF  }
0xf6: {  	p0 =	sne.s32 s0, $0x0;
	s0 =	rddreg [dreg:$0x2]  }
0xf7: {  	s0 =	sadd.s32 @!p0 $0x100000, s0  }
0xf8: {  	[sflag:s0] =	ssyncadd.tile.s32 @!p0 $0x1;
	_ =	shalt  }
.Lfunc_end2:
_tile_overlayer_lowered:
.L_overlay_start_2:
0xf9: {  	(tag) =	ssettag $0x2  }
0xfa: {  	s0 =	rddreg [dreg:$0x0];
	s2 =	stileid.u32  }
0xfb: {  	s1 =	rddreg [dreg:$0x1];
	p0 =	sne.s32 s2, $0x0  }
0xfc: {  	s3 =	rddreg [dreg:$0x2];
	[bflag:$0x3] =	sbarrier.arrive $0xFFFF;
	s2 =	simm.s32 @!p0 $0x1C07  }
0xfd: {  	[timem:s3], [sflag:s2] =	dma.local @!p0 [hbm:s0], s1  }
0xfe: {  	s0 =	simm.s32 @!p0 $0x7  }
0xff: {  	_ =	swait.ge @!p0 [sflag:s0], s1  }
0x100: {  	s1 =	ssub.s32 @!p0 $0x0, s1;
	[sflag:s0] =	ssyncset.done @!p0 $0x0  }
0x101: {  	[sflag:s0] =	ssyncadd.s32 @!p0 s1  }
0x102: {  	[bflag:$0x3] =	sbarrier.arrive $0xFFFF  }
0x103: {  	_ =	shalt  }

</sc_bundles>
